<compile_context>
chip_gen: v7x
topology: tpu7x:2x2x1
jax: 0.10.2.dev20260603
libtpu: 0.0.44.dev20260713+nightly
codegen_flags: <defaults>
</compile_context>

<pallas_src>
import dataclasses
import functools

import jax
import jax.numpy as jnp
from jax import lax
from jax.experimental import pallas as pl
from jax.experimental.pallas import tpu as pltpu
from jax.experimental.pallas import tpu_sc as plsc

_NX, _NY, _NZ, _C = 432, 496, 1, 64
_CW = 128
_P = 12000
_PPAD = 12288
_B = 4
_K = 4096
_G = _NX * _NY
_CBLK = 3968
_NBLK = 56
_GP = _CBLK * _NBLK
_NW = 32
_WIN = 128
_WPW = (_B * _PPAD) // (_NW * _WIN)
_SPW = 2 * _GP
_ZCH = _SPW // 16


def _sc_compiler_params():
    cp = pltpu.CompilerParams()
    if "needs_layout_passes" in pltpu.CompilerParams.__dataclass_fields__:
        cp = dataclasses.replace(cp, needs_layout_passes=False)
    return cp


def _compute_body(pf_ref, co_ref, w1_ref, b1_ref, g1_ref, be1_ref, m1_ref,
                  v1_ref, ws_ref, sc_ref, acts_ref, dg_ref, s3_ref):
    b = pl.program_id(0)
    x = pf_ref[...]
    h = lax.dot_general(x, w1_ref[...], (((1,), (1,)), ((), ())),
                        preferred_element_type=jnp.float32) + b1_ref[...]
    h = (h - m1_ref[...]) / jnp.sqrt(v1_ref[...] + 1e-5) * g1_ref[...] \
        + be1_ref[...]
    a = jax.nn.sigmoid(h)
    acts_ref[0:_P, 0:_C] = a
    acts_ref[0:_P, _C:_CW] = jnp.zeros((_P, _CW - _C), jnp.float32)
    acts_ref[_P:_PPAD, :] = jnp.zeros((_PPAD - _P, _CW), jnp.float32)

    s0 = lax.dot_general(ws_ref[...], a, (((1,), (1,)), ((), ())),
                         preferred_element_type=jnp.float32) + sc_ref[0]
    s0 = (s0 - sc_ref[3]) / jnp.sqrt(sc_ref[4] + 1e-5) * sc_ref[1] + sc_ref[2]
    score = jax.nn.sigmoid(s0)

    bits = lax.bitcast_convert_type(score, jnp.int32)

    def bs_body(_, lh):
        lo, hi = lh
        mid = lo + 1 + ((hi - lo - 1) >> 1)
        cnt = jnp.sum((bits >= mid).astype(jnp.int32))
        ok = cnt >= _K
        return (jnp.where(ok, mid, lo), jnp.where(ok, hi, mid - 1))

    tau, _ = lax.fori_loop(0, 31, bs_body,
                           (jnp.int32(0), jnp.int32(2147483647)))

    n_gt = jnp.sum((bits > tau).astype(jnp.int32))
    need = _K - n_gt
    is_tie = bits == tau
    iota = lax.broadcasted_iota(jnp.int32, (1, _P), 1)

    def ts_body(_, lh):
        lo2, hi2 = lh
        mid = (lo2 + hi2) >> 1
        cnt = jnp.sum((is_tie & (iota < mid)).astype(jnp.int32))
        ok = cnt >= need
        return (jnp.where(ok, lo2, mid + 1), jnp.where(ok, mid, hi2))

    m, _ = lax.fori_loop(0, 14, ts_body, (jnp.int32(1), jnp.int32(_P)))
    sel = (bits > tau) | (is_tie & (iota < m))

    cells = (co_ref[0, 1:2, 0:_P] + co_ref[0, 3:4, 0:_P] * _NY
             + co_ref[0, 2:3, 0:_P])
    dg_ref[0, 0:1, 0:_P] = jnp.where(sel, b * _GP + cells, b * _GP + _G)
    dg_ref[0, 0:1, _P:_PPAD] = jnp.full((1, _PPAD - _P), _G, jnp.int32) \
        + b * _GP

    tot = jnp.sum(score)
    ssel = jnp.sum(jnp.where(sel, score, 0.0))
    s3_ref[...] = jnp.full((1, 1, 128), (tot - ssel) / float(_P - _K),
                           jnp.float32)


def _expand_body(outt_ref, stamp_ref, o_ref):
    j = pl.program_id(1)
    xt = outt_ref[:, 0:_C].T
    srows = stamp_ref[0, pl.ds(j * (_CBLK // 128), _CBLK // 128), :]
    xt3 = xt.reshape(_C, _CBLK // 128, 128)
    o = jnp.where(srows[None] != 0, xt3, 0.0)
    o_ref[...] = o.reshape(1, _C, _CBLK)


def kernel(pillar_features, voxel_coords, W1, b1, g1, be1, m1, v1,
           Ws, bs, gs, bes, ms, vs):
    f32, i32 = jnp.float32, jnp.int32
    co_t = jnp.pad(
        voxel_coords.astype(i32).reshape(_B, _P, 4).transpose(0, 2, 1),
        ((0, 0), (0, 0), (0, _PPAD - _P)))
    row = lambda v: v.reshape(1, -1).astype(f32)
    scal = jnp.concatenate([bs.reshape(1), gs.reshape(1), bes.reshape(1),
                            ms.reshape(1), vs.reshape(1)]).astype(f32)

    _call_compute = pl.pallas_call(
        _compute_body,
        grid=(_B,),
        in_specs=[
            pl.BlockSpec((_P, _C), lambda b: (b, 0)),
            pl.BlockSpec((1, 4, _PPAD), lambda b: (b, 0, 0)),
            pl.BlockSpec((_C, _C), lambda b: (0, 0)),
        ] + [pl.BlockSpec((1, _C), lambda b: (0, 0))] * 5
          + [pl.BlockSpec((1, _C), lambda b: (0, 0))]
          + [pl.BlockSpec(memory_space=pltpu.SMEM)],
        out_specs=[
            pl.BlockSpec((_PPAD, _CW), lambda b: (b, 0)),
            pl.BlockSpec((1, 1, _PPAD), lambda b: (b, 0, 0)),
            pl.BlockSpec((1, 1, 128), lambda b: (b, 0, 0)),
        ],
        out_shape=[
            jax.ShapeDtypeStruct((_B * _PPAD, _CW), f32),
            jax.ShapeDtypeStruct((_B, 1, _PPAD), i32),
            jax.ShapeDtypeStruct((_B, 1, 128), f32),
        ],
    )
    acts, dg, s3 = _call_compute(
        pillar_features, co_t, W1.astype(f32), row(b1), row(g1), row(be1),
        row(m1), row(v1), Ws.reshape(1, _C).astype(f32), scal)

    acts3 = acts.reshape(_NW * _WPW, _WIN, _CW)
    dg3 = dg.reshape(_NW, _WPW, _WIN)
    dgc = dg.reshape(2, 2 * _PPAD)
    zeros_z = jnp.zeros((_ZCH,), i32)

    mesh = plsc.VectorSubcoreMesh(core_axis_name="c", subcore_axis_name="s")

    @functools.partial(
        pl.kernel,
        out_type=jax.ShapeDtypeStruct((_B * _GP, _CW), f32),
        mesh=mesh,
        scratch_types=[pltpu.VMEM((_WPW, _WIN), i32),
                       pltpu.VMEM((_WIN, _CW), f32)],
    )
    def _scatter_kernel(acts_hbm, dg_hbm, outt_hbm, idxg_v, rows_v):
        c = lax.axis_index("c")
        s = lax.axis_index("s")
        w = c * 16 + s

        pltpu.sync_copy(dg_hbm.at[w], idxg_v)

        @pl.loop(0, _WPW)
        def _(j):
            t = w * _WPW + j
            pltpu.sync_copy(acts_hbm.at[t], rows_v)
            pltpu.sync_copy(rows_v, outt_hbm.at[idxg_v.at[j]])

    @functools.partial(
        pl.kernel,
        out_type=jax.ShapeDtypeStruct((_B * _GP,), i32),
        mesh=mesh,
        scratch_types=[pltpu.VMEM((2 * _PPAD,), i32),
                       pltpu.VMEM((_ZCH,), i32)],
        compiler_params=_sc_compiler_params(),
    )
    def _stamp_kernel(dgc_hbm, zeros_hbm, stamp_hbm, dgc_v, stamp_v):
        c = lax.axis_index("c")
        s = lax.axis_index("s")
        gbase = c * _SPW + s * _ZCH

        pltpu.sync_copy(zeros_hbm, stamp_v)
        pltpu.sync_copy(dgc_hbm.at[c], dgc_v)
        ones16 = jnp.full((16,), 1, jnp.int32)

        @pl.loop(0, 2 * _PPAD, step=16)
        def _(i):
            dlv = dgc_v[pl.ds(i, 16)]
            mask = (dlv >= gbase) & (dlv < gbase + _ZCH)
            il = jnp.minimum(jnp.maximum(dlv - gbase, 0), _ZCH - 1)
            plsc.store_scatter(stamp_v, [il], ones16, mask=mask)

        pltpu.sync_copy(stamp_v, stamp_hbm.at[pl.ds(gbase, _ZCH)])

    out_t = _scatter_kernel(acts3, dg3)
    stamp = _stamp_kernel(dgc, zeros_z)

    out3 = pl.pallas_call(
        _expand_body,
        grid=(_B, _G // _CBLK),
        in_specs=[
            pl.BlockSpec((_CBLK, _CW), lambda b, j: (b * _NBLK + j, 0)),
            pl.BlockSpec((1, _GP // 128, 128), lambda b, j: (b, 0, 0)),
        ],
        out_specs=pl.BlockSpec((1, _C, _CBLK), lambda b, j: (b, 0, j)),
        out_shape=jax.ShapeDtypeStruct((_B, _C, _G), f32),
    )(out_t, stamp.reshape(_B, _GP // 128, 128))

    out4 = jnp.swapaxes(out3.reshape(_B, _C * _NZ, _NX, _NY), 2, 3)
    return out4, s3[:, 0, 0]

# --- scband reference (transcript-rebuilt; emitter-appended) ---
"""Pipeline reference for scband-point-pillar-scatter-54408645705849 (READ-ONLY COPY).

The authoritative reference and input builder live on the scoring server;
editing this copy changes nothing except your own understanding.
"""

import jax, jax.numpy as jnp
import numpy as np

NX, NY, NZ, C = 432, 496, 1, 64
B, P_PER = 4, 12000


def setup_inputs(seed: int = 0) -> dict:
    key = jax.random.key(seed)
    ks = jax.random.split(key, 6)
    rng = np.random.default_rng(0)
    coords = []
    for b in range(B):
        cells = rng.choice(NX * NY, size=P_PER, replace=False)
        y = (cells // NX).astype(np.int64)
        x = (cells % NX).astype(np.int64)
        cb = np.stack([np.full(P_PER, b, np.int64), np.zeros(P_PER, np.int64), y, x], axis=1)
        coords.append(cb)
    voxel_coords = jnp.asarray(np.concatenate(coords, 0).astype(np.int64))
    pillar_features = jax.random.normal(ks[0], (B * P_PER, C), dtype=jnp.float32)
    W1 = jax.random.normal(ks[1], (C, C), dtype=jnp.float32) * 0.05
    b1 = jax.random.normal(ks[2], (C,), dtype=jnp.float32) * 0.01
    Ws = jax.random.normal(ks[3], (1, C), dtype=jnp.float32) * 0.05
    bs = jax.random.normal(ks[4], (1,), dtype=jnp.float32) * 0.01
    return {
        'pillar_features': pillar_features,
        'voxel_coords': voxel_coords,
        'W1': W1, 'b1': b1,
        'g1': jnp.ones((C,), jnp.float32), 'be1': jnp.zeros((C,), jnp.float32),
        'm1': jnp.zeros((C,), jnp.float32), 'v1': jnp.ones((C,), jnp.float32),
        'Ws': Ws, 'bs': bs,
        'gs': jnp.ones((1,), jnp.float32), 'bes': jnp.zeros((1,), jnp.float32),
        'ms': jnp.zeros((1,), jnp.float32), 'vs': jnp.ones((1,), jnp.float32),
    }


def _bn(x, g, b, m, v):
    # BatchNorm1d in eval mode with running stats
    return (x - m) / jnp.sqrt(v + 1e-5) * g + b


def reference(pillar_features, voxel_coords, W1, b1, g1, be1, m1, v1, Ws, bs, gs, bes, ms, vs):
    batch_size = voxel_coords.shape[0] // P_PER
    coords = voxel_coords.reshape(batch_size, P_PER, 4)
    pf = pillar_features.reshape(batch_size, P_PER, C)
    feats, score3 = [], []
    for b in range(batch_size):
        this = coords[b]
        indices = this[:, 1] + this[:, 2] * NX + this[:, 3]
        pillars = pf[b]
        score2 = jnp.asarray(0.0, jnp.float32)
        if pillars.shape[0] > 4096:
            pillars = jax.nn.sigmoid(_bn(pillars @ W1.T + b1, g1, be1, m1, v1))
            score = jax.nn.sigmoid(jnp.squeeze(_bn(pillars @ Ws.T + bs, gs, bes, ms, vs), -1))
            top_score, index = jax.lax.top_k(score, 4096)
            indices = jnp.take(indices, index)
            pillars = jnp.take(pillars, index, axis=0)
            maskv = jnp.ones(score.shape, dtype=bool).at[index].set(False)
            score2 = jnp.sum(jnp.where(maskv, score, 0.0)) / jnp.sum(maskv).astype(jnp.float32)
        spatial = jnp.zeros((C, NZ * NX * NY), pillar_features.dtype)
        spatial = spatial.at[:, indices].set(pillars.T)
        feats.append(spatial)
        score3.append(score2)
    out = jnp.stack(feats, 0).reshape(batch_size, C * NZ, NY, NX)
    return out, jnp.stack(score3)

if __name__ == "__main__":
    import jax
    _d = setup_inputs()
    print(jax.jit(kernel)(*tuple(_d.values())))

</pallas_src>

<mosaic_0001>
#map = affine_map<(d0, d1) -> (0, 0)>
#map1 = affine_map<(d0, d1) -> (0)>
module attributes {stable_mosaic.version = 14 : i64} {
  func.func @_stamp_kernel(%arg0: i32, %arg1: i32, %arg2: memref<2x24576xi32, #tpu.memory_space<hbm>>, %arg3: memref<27776xi32, #tpu.memory_space<hbm>>, %arg4: memref<888832xi32, #tpu.memory_space<hbm>>, %arg5: memref<24576xi32, #tpu.memory_space<vmem>>, %arg6: memref<27776xi32, #tpu.memory_space<vmem>>) attributes {dimension_semantics = [#tpu.dimension_semantics<core_parallel>, #tpu.dimension_semantics<subcore_parallel>], iteration_bounds = array<i64: 2, 16>, scalar_prefetch = 0 : i64, scratch_operands = 2 : i64, tpu.core_type = #tpu.core_type<sc_vector_subcore>, window_params = [{transform_indices = #map}, {transform_indices = #map1}, {transform_indices = #map1}]} {
    %mul3A = arith.constant 444416 : i32
    %mul3A_0 = arith.muli %arg0, %mul3A : i32
    %mul3A_1 = arith.constant 27776 : i32
    %mul3A_2 = arith.muli %arg1, %mul3A_1 : i32
    %add3A = arith.addi %mul3A_0, %mul3A_2 : i32
    "tpu.region"() ({
      %run_scoped3A = tpu.sem_alloc : memref<!tpu.dma_semaphore, #tpu.memory_space<semaphore_mem>>
      tpu.enqueue_dma source(%arg3 : memref<27776xi32, #tpu.memory_space<hbm>>) target(%arg6 : memref<27776xi32, #tpu.memory_space<vmem>>) target_semaphore(%run_scoped3A : memref<!tpu.dma_semaphore, #tpu.memory_space<semaphore_mem>>)
      tpu.wait_dma2 semaphore(%run_scoped3A : memref<!tpu.dma_semaphore, #tpu.memory_space<semaphore_mem>>) src(%arg3 : memref<27776xi32, #tpu.memory_space<hbm>>) dst(%arg6 : memref<27776xi32, #tpu.memory_space<vmem>>)
      tpu.yield
    }) : () -> ()
    "tpu.region"() ({
      %run_scoped3A = tpu.sem_alloc : memref<!tpu.dma_semaphore, #tpu.memory_space<semaphore_mem>>
      %dma_start3A = arith.constant 0 : i32
      %dma_start3A_8 = tpu.memref_slice %arg2[%arg0, %dma_start3A] : memref<2x24576xi32, #tpu.memory_space<hbm>> -> memref<1x24576xi32, #tpu.memory_space<hbm>>
      %dma_start3A_9 = tpu.memref_squeeze %dma_start3A_8 : memref<1x24576xi32, #tpu.memory_space<hbm>> -> memref<24576xi32, #tpu.memory_space<hbm>>
      %dma_start3A_10 = arith.constant 0 : i32
      %dma_start3A_11 = tpu.memref_slice %arg2[%arg0, %dma_start3A_10] : memref<2x24576xi32, #tpu.memory_space<hbm>> -> memref<1x24576xi32, #tpu.memory_space<hbm>>
      %dma_start3A_12 = tpu.memref_squeeze %dma_start3A_11 : memref<1x24576xi32, #tpu.memory_space<hbm>> -> memref<24576xi32, #tpu.memory_space<hbm>>
      tpu.enqueue_dma source(%dma_start3A_12 : memref<24576xi32, #tpu.memory_space<hbm>>) target(%arg5 : memref<24576xi32, #tpu.memory_space<vmem>>) target_semaphore(%run_scoped3A : memref<!tpu.dma_semaphore, #tpu.memory_space<semaphore_mem>>)
      %dma_wait3A = arith.constant 0 : i32
      %dma_wait3A_13 = tpu.memref_slice %arg2[%arg0, %dma_wait3A] : memref<2x24576xi32, #tpu.memory_space<hbm>> -> memref<1x24576xi32, #tpu.memory_space<hbm>>
      %dma_wait3A_14 = tpu.memref_squeeze %dma_wait3A_13 : memref<1x24576xi32, #tpu.memory_space<hbm>> -> memref<24576xi32, #tpu.memory_space<hbm>>
      %dma_wait3A_15 = arith.constant 0 : i32
      %dma_wait3A_16 = tpu.memref_slice %arg2[%arg0, %dma_wait3A_15] : memref<2x24576xi32, #tpu.memory_space<hbm>> -> memref<1x24576xi32, #tpu.memory_space<hbm>>
      %dma_wait3A_17 = tpu.memref_squeeze %dma_wait3A_16 : memref<1x24576xi32, #tpu.memory_space<hbm>> -> memref<24576xi32, #tpu.memory_space<hbm>>
      tpu.wait_dma2 semaphore(%run_scoped3A : memref<!tpu.dma_semaphore, #tpu.memory_space<semaphore_mem>>) src(%dma_wait3A_17 : memref<24576xi32, #tpu.memory_space<hbm>>) dst(%arg5 : memref<24576xi32, #tpu.memory_space<vmem>>)
      tpu.yield
    }) : () -> ()
    %broadcast_in_dim3A = arith.constant 1 : i32
    %broadcast_in_dim3A_3 = vector.broadcast %broadcast_in_dim3A : i32 to vector<16xi32>
    %scan3A = arith.constant 0 : i32
    %scan3A_4 = arith.constant 1536 : i32
    %scan3A_5 = arith.addi %scan3A, %scan3A_4 : i32
    %scan3A_6 = arith.constant 1 : i32
    scf.for %scan3A_8 = %scan3A to %scan3A_5 step %scan3A_6  : i32 {
      %mul3A_9 = arith.constant 16 : i32
      %mul3A_10 = arith.muli %scan3A_8, %mul3A_9 : i32
      %add3A_11 = arith.constant 0 : i32
      %add3A_12 = arith.addi %add3A_11, %mul3A_10 : i32
      %get3A = arith.index_cast %add3A_12 : i32 to index
      %get3A_13 = tpu.vector_load %arg5[%get3A] {strides = array<i32>} : memref<24576xi32, #tpu.memory_space<vmem>>, vector<16xi32>,
      %ge3A = vector.broadcast %add3A : i32 to vector<16xi32>
      %ge3A_14 = arith.cmpi sge, %get3A_13, %ge3A : vector<16xi32>
      %add3A_15 = arith.constant 27776 : i32
      %add3A_16 = arith.addi %add3A, %add3A_15 : i32
      %lt3A = vector.broadcast %add3A_16 : i32 to vector<16xi32>
      %lt3A_17 = arith.cmpi slt, %get3A_13, %lt3A : vector<16xi32>
      %and3A = arith.andi %ge3A_14, %lt3A_17 : vector<16xi1>
      %sub3A = vector.broadcast %add3A : i32 to vector<16xi32>
      %sub3A_18 = arith.subi %get3A_13, %sub3A : vector<16xi32>
      %max3A = arith.constant 0 : i32
      %max3A_19 = vector.broadcast %max3A : i32 to vector<16xi32>
      %max3A_20 = arith.maxsi %sub3A_18, %max3A_19 : vector<16xi32>
      %min3A = arith.constant 27775 : i32
      %min3A_21 = vector.broadcast %min3A : i32 to vector<16xi32>
      %min3A_22 = arith.minsi %max3A_20, %min3A_21 : vector<16xi32>
      tpu.vector_store_idx %arg6[%min3A_22], %broadcast_in_dim3A_3 masked %and3A : memref<27776xi32, #tpu.memory_space<vmem>>[vector<16xi32>], vector<16xi32>, vector<16xi1>
    }
    %scan3A_7 = arith.constant 1536 : i32
    "tpu.region"() ({
      %run_scoped3A = tpu.sem_alloc : memref<!tpu.dma_semaphore, #tpu.memory_space<semaphore_mem>>
      %dma_start3A = tpu.memref_slice %arg4[%add3A] : memref<888832xi32, #tpu.memory_space<hbm>> -> memref<27776xi32, #tpu.memory_space<hbm>>
      %dma_start3A_8 = tpu.memref_slice %arg4[%add3A] : memref<888832xi32, #tpu.memory_space<hbm>> -> memref<27776xi32, #tpu.memory_space<hbm>>
      tpu.enqueue_dma source(%arg6 : memref<27776xi32, #tpu.memory_space<vmem>>) target(%dma_start3A_8 : memref<27776xi32, #tpu.memory_space<hbm>>) target_semaphore(%run_scoped3A : memref<!tpu.dma_semaphore, #tpu.memory_space<semaphore_mem>>)
      %dma_wait3A = tpu.memref_slice %arg4[%add3A] : memref<888832xi32, #tpu.memory_space<hbm>> -> memref<27776xi32, #tpu.memory_space<hbm>>
      %dma_wait3A_9 = tpu.memref_slice %arg4[%add3A] : memref<888832xi32, #tpu.memory_space<hbm>> -> memref<27776xi32, #tpu.memory_space<hbm>>
      tpu.wait_dma2 semaphore(%run_scoped3A : memref<!tpu.dma_semaphore, #tpu.memory_space<semaphore_mem>>) src(%arg6 : memref<27776xi32, #tpu.memory_space<vmem>>) dst(%dma_wait3A_9 : memref<27776xi32, #tpu.memory_space<hbm>>)
      tpu.yield
    }) : () -> ()
    return
  }
}

#map = affine_map<(d0, d1) -> (0, 0, 0)>
#map1 = affine_map<(d0, d1) -> (0, 0)>
module attributes {stable_mosaic.version = 14 : i64} {
  func.func @_scatter_kernel(%arg0: i32, %arg1: i32, %arg2: memref<384x128x128xf32, #tpu.memory_space<hbm>>, %arg3: memref<32x12x128xi32, #tpu.memory_space<hbm>>, %arg4: memref<888832x128xf32, #tpu.memory_space<hbm>>, %arg5: memref<12x128xi32, #tpu.memory_space<vmem>>, %arg6: memref<128x128xf32, #tpu.memory_space<vmem>>) attributes {dimension_semantics = [#tpu.dimension_semantics<core_parallel>, #tpu.dimension_semantics<subcore_parallel>], iteration_bounds = array<i64: 2, 16>, scalar_prefetch = 0 : i64, scratch_operands = 2 : i64, tpu.core_type = #tpu.core_type<sc_vector_subcore>, window_params = [{transform_indices = #map}, {transform_indices = #map}, {transform_indices = #map1}]} {
    %mul3A = arith.constant 16 : i32
    %mul3A_0 = arith.muli %arg0, %mul3A : i32
    %add3A = arith.addi %mul3A_0, %arg1 : i32
    "tpu.region"() ({
      %run_scoped3A = tpu.sem_alloc : memref<!tpu.dma_semaphore, #tpu.memory_space<semaphore_mem>>
      %dma_start3A = arith.constant 0 : i32
      %dma_start3A_5 = arith.constant 0 : i32
      %dma_start3A_6 = tpu.memref_slice %arg3[%add3A, %dma_start3A, %dma_start3A_5] : memref<32x12x128xi32, #tpu.memory_space<hbm>> -> memref<1x12x128xi32, #tpu.memory_space<hbm>>
      %dma_start3A_7 = tpu.memref_squeeze %dma_start3A_6 : memref<1x12x128xi32, #tpu.memory_space<hbm>> -> memref<12x128xi32, #tpu.memory_space<hbm>>
      %dma_start3A_8 = arith.constant 0 : i32
      %dma_start3A_9 = arith.constant 0 : i32
      %dma_start3A_10 = tpu.memref_slice %arg3[%add3A, %dma_start3A_8, %dma_start3A_9] : memref<32x12x128xi32, #tpu.memory_space<hbm>> -> memref<1x12x128xi32, #tpu.memory_space<hbm>>
      %dma_start3A_11 = tpu.memref_squeeze %dma_start3A_10 : memref<1x12x128xi32, #tpu.memory_space<hbm>> -> memref<12x128xi32, #tpu.memory_space<hbm>>
      tpu.enqueue_dma source(%dma_start3A_11 : memref<12x128xi32, #tpu.memory_space<hbm>>) target(%arg5 : memref<12x128xi32, #tpu.memory_space<vmem>>) target_semaphore(%run_scoped3A : memref<!tpu.dma_semaphore, #tpu.memory_space<semaphore_mem>>)
      %dma_wait3A = arith.constant 0 : i32
      %dma_wait3A_12 = arith.constant 0 : i32
      %dma_wait3A_13 = tpu.memref_slice %arg3[%add3A, %dma_wait3A, %dma_wait3A_12] : memref<32x12x128xi32, #tpu.memory_space<hbm>> -> memref<1x12x128xi32, #tpu.memory_space<hbm>>
      %dma_wait3A_14 = tpu.memref_squeeze %dma_wait3A_13 : memref<1x12x128xi32, #tpu.memory_space<hbm>> -> memref<12x128xi32, #tpu.memory_space<hbm>>
      %dma_wait3A_15 = arith.constant 0 : i32
      %dma_wait3A_16 = arith.constant 0 : i32
      %dma_wait3A_17 = tpu.memref_slice %arg3[%add3A, %dma_wait3A_15, %dma_wait3A_16] : memref<32x12x128xi32, #tpu.memory_space<hbm>> -> memref<1x12x128xi32, #tpu.memory_space<hbm>>
      %dma_wait3A_18 = tpu.memref_squeeze %dma_wait3A_17 : memref<1x12x128xi32, #tpu.memory_space<hbm>> -> memref<12x128xi32, #tpu.memory_space<hbm>>
      tpu.wait_dma2 semaphore(%run_scoped3A : memref<!tpu.dma_semaphore, #tpu.memory_space<semaphore_mem>>) src(%dma_wait3A_18 : memref<12x128xi32, #tpu.memory_space<hbm>>) dst(%arg5 : memref<12x128xi32, #tpu.memory_space<vmem>>)
      tpu.yield
    }) : () -> ()
    %scan3A = arith.constant 0 : i32
    %scan3A_1 = arith.constant 12 : i32
    %scan3A_2 = arith.addi %scan3A, %scan3A_1 : i32
    %scan3A_3 = arith.constant 1 : i32
    scf.for %scan3A_5 = %scan3A to %scan3A_2 step %scan3A_3  : i32 {
      %mul3A_6 = arith.constant 1 : i32
      %mul3A_7 = arith.muli %scan3A_5, %mul3A_6 : i32
      %add3A_8 = arith.constant 0 : i32
      %add3A_9 = arith.addi %add3A_8, %mul3A_7 : i32
      %mul3A_10 = arith.constant 12 : i32
      %mul3A_11 = arith.muli %add3A, %mul3A_10 : i32
      %add3A_12 = arith.addi %mul3A_11, %add3A_9 : i32
      "tpu.region"() ({
        %run_scoped3A = tpu.sem_alloc : memref<!tpu.dma_semaphore, #tpu.memory_space<semaphore_mem>>
        %dma_start3A = arith.constant 0 : i32
        %dma_start3A_13 = arith.constant 0 : i32
        %dma_start3A_14 = tpu.memref_slice %arg2[%add3A_12, %dma_start3A, %dma_start3A_13] : memref<384x128x128xf32, #tpu.memory_space<hbm>> -> memref<1x128x128xf32, #tpu.memory_space<hbm>>
        %dma_start3A_15 = tpu.memref_squeeze %dma_start3A_14 : memref<1x128x128xf32, #tpu.memory_space<hbm>> -> memref<128x128xf32, #tpu.memory_space<hbm>>
        %dma_start3A_16 = arith.constant 0 : i32
        %dma_start3A_17 = arith.constant 0 : i32
        %dma_start3A_18 = tpu.memref_slice %arg2[%add3A_12, %dma_start3A_16, %dma_start3A_17] : memref<384x128x128xf32, #tpu.memory_space<hbm>> -> memref<1x128x128xf32, #tpu.memory_space<hbm>>
        %dma_start3A_19 = tpu.memref_squeeze %dma_start3A_18 : memref<1x128x128xf32, #tpu.memory_space<hbm>> -> memref<128x128xf32, #tpu.memory_space<hbm>>
        tpu.enqueue_dma source(%dma_start3A_19 : memref<128x128xf32, #tpu.memory_space<hbm>>) target(%arg6 : memref<128x128xf32, #tpu.memory_space<vmem>>) target_semaphore(%run_scoped3A : memref<!tpu.dma_semaphore, #tpu.memory_space<semaphore_mem>>)
        %dma_wait3A = arith.constant 0 : i32
        %dma_wait3A_20 = arith.constant 0 : i32
        %dma_wait3A_21 = tpu.memref_slice %arg2[%add3A_12, %dma_wait3A, %dma_wait3A_20] : memref<384x128x128xf32, #tpu.memory_space<hbm>> -> memref<1x128x128xf32, #tpu.memory_space<hbm>>
        %dma_wait3A_22 = tpu.memref_squeeze %dma_wait3A_21 : memref<1x128x128xf32, #tpu.memory_space<hbm>> -> memref<128x128xf32, #tpu.memory_space<hbm>>
        %dma_wait3A_23 = arith.constant 0 : i32
        %dma_wait3A_24 = arith.constant 0 : i32
        %dma_wait3A_25 = tpu.memref_slice %arg2[%add3A_12, %dma_wait3A_23, %dma_wait3A_24] : memref<384x128x128xf32, #tpu.memory_space<hbm>> -> memref<1x128x128xf32, #tpu.memory_space<hbm>>
        %dma_wait3A_26 = tpu.memref_squeeze %dma_wait3A_25 : memref<1x128x128xf32, #tpu.memory_space<hbm>> -> memref<128x128xf32, #tpu.memory_space<hbm>>
        tpu.wait_dma2 semaphore(%run_scoped3A : memref<!tpu.dma_semaphore, #tpu.memory_space<semaphore_mem>>) src(%dma_wait3A_26 : memref<128x128xf32, #tpu.memory_space<hbm>>) dst(%arg6 : memref<128x128xf32, #tpu.memory_space<vmem>>)
        tpu.yield
      }) : () -> ()
      "tpu.region"() ({
        %run_scoped3A = tpu.sem_alloc : memref<!tpu.dma_semaphore, #tpu.memory_space<semaphore_mem>>
        %dma_start3A = arith.constant 0 : i32
        %dma_start3A_13 = tpu.memref_slice %arg5[%add3A_9, %dma_start3A] : memref<12x128xi32, #tpu.memory_space<vmem>> -> memref<1x128xi32, #tpu.memory_space<vmem>>
        %dma_start3A_14 = tpu.memref_squeeze %dma_start3A_13 : memref<1x128xi32, #tpu.memory_space<vmem>> -> memref<128xi32, #tpu.memory_space<vmem>>
        %dma_start3A_15 = arith.constant 0 : i32
        %dma_start3A_16 = arith.constant 0 : i32
        %dma_start3A_17 = tpu.memref_slice %arg4[%dma_start3A_15, %dma_start3A_16] : memref<888832x128xf32, #tpu.memory_space<hbm>> -> memref<888832x128xf32, #tpu.memory_space<hbm>>
        tpu.enqueue_indirect_dma source(%arg6 : memref<128x128xf32, #tpu.memory_space<vmem>>) target(%dma_start3A_17 : memref<888832x128xf32, #tpu.memory_space<hbm>>) offsets(%dma_start3A_14 : memref<128xi32, #tpu.memory_space<vmem>>) semaphore(%run_scoped3A : memref<!tpu.dma_semaphore, #tpu.memory_space<semaphore_mem>>)
        %dma_wait3A = arith.constant 0 : i32
        %dma_wait3A_18 = tpu.memref_slice %arg5[%add3A_9, %dma_wait3A] : memref<12x128xi32, #tpu.memory_space<vmem>> -> memref<1x128xi32, #tpu.memory_space<vmem>>
        %dma_wait3A_19 = tpu.memref_squeeze %dma_wait3A_18 : memref<1x128xi32, #tpu.memory_space<vmem>> -> memref<128xi32, #tpu.memory_space<vmem>>
        %dma_wait3A_20 = arith.constant 0 : i32
        %dma_wait3A_21 = arith.constant 0 : i32
        %dma_wait3A_22 = tpu.memref_slice %arg4[%dma_wait3A_20, %dma_wait3A_21] : memref<888832x128xf32, #tpu.memory_space<hbm>> -> memref<888832x128xf32, #tpu.memory_space<hbm>>
        tpu.wait_indirect_dma semaphore(%run_scoped3A : memref<!tpu.dma_semaphore, #tpu.memory_space<semaphore_mem>>) src(%arg6 : memref<128x128xf32, #tpu.memory_space<vmem>>) dst(%dma_wait3A_22 : memref<888832x128xf32, #tpu.memory_space<hbm>>)
        tpu.yield
      }) : () -> ()
    }
    %scan3A_4 = arith.constant 12 : i32
    return
  }
}

module attributes {stable_mosaic.version = 14 : i64} {
  func.func @_compute_body(%arg0: i32, %arg1: memref<12000x64xf32, #tpu.memory_space<vmem>>, %arg2: memref<1x4x12288xi32, #tpu.memory_space<vmem>>, %arg3: memref<64x64xf32, #tpu.memory_space<vmem>>, %arg4: memref<1x64xf32, #tpu.memory_space<vmem>>, %arg5: memref<1x64xf32, #tpu.memory_space<vmem>>, %arg6: memref<1x64xf32, #tpu.memory_space<vmem>>, %arg7: memref<1x64xf32, #tpu.memory_space<vmem>>, %arg8: memref<1x64xf32, #tpu.memory_space<vmem>>, %arg9: memref<1x64xf32, #tpu.memory_space<vmem>>, %arg10: memref<5xf32, #tpu.memory_space<smem>>, %arg11: memref<12288x128xf32, #tpu.memory_space<vmem>>, %arg12: memref<1x1x12288xi32, #tpu.memory_space<vmem>>, %arg13: memref<1x1x128xf32, #tpu.memory_space<vmem>>) attributes {dimension_semantics = [#tpu.dimension_semantics<arbitrary>], iteration_bounds = array<i64: 4>, scalar_prefetch = 0 : i64, scratch_operands = 0 : i64, tpu.core_type = #tpu.core_type<tc>, window_params = [{transform_indices = @transform_0, window_bounds = array<i64: 12000, 64>}, {transform_indices = @transform_1, window_bounds = array<i64: 1, 4, 12288>}, {pipeline_mode = #tpu.pipeline_mode<synchronous>, transform_indices = @transform_2, window_bounds = array<i64: 64, 64>}, {pipeline_mode = #tpu.pipeline_mode<synchronous>, transform_indices = @transform_3, window_bounds = array<i64: 1, 64>}, {pipeline_mode = #tpu.pipeline_mode<synchronous>, transform_indices = @transform_4, window_bounds = array<i64: 1, 64>}, {pipeline_mode = #tpu.pipeline_mode<synchronous>, transform_indices = @transform_5, window_bounds = array<i64: 1, 64>}, {pipeline_mode = #tpu.pipeline_mode<synchronous>, transform_indices = @transform_6, window_bounds = array<i64: 1, 64>}, {pipeline_mode = #tpu.pipeline_mode<synchronous>, transform_indices = @transform_7, window_bounds = array<i64: 1, 64>}, {pipeline_mode = #tpu.pipeline_mode<synchronous>, transform_indices = @transform_8, window_bounds = array<i64: 1, 64>}, {transform_indices = @transform_9, window_bounds = array<i64: 5>}, {transform_indices = @transform_10, window_bounds = array<i64: 12288, 128>}, {transform_indices = @transform_11, window_bounds = array<i64: 1, 1, 12288>}, {transform_indices = @transform_12, window_bounds = array<i64: 1, 1, 128>}]} {
    %get3A = arith.constant 0 : index
    %get3A_0 = arith.constant 0 : index
    %get3A_1 = vector.load %arg1[%get3A, %get3A_0] : memref<12000x64xf32, #tpu.memory_space<vmem>>, vector<12000x64xf32>
    %get3A_2 = arith.constant 0 : index
    %get3A_3 = arith.constant 0 : index
    %get3A_4 = vector.load %arg3[%get3A_2, %get3A_3] : memref<64x64xf32, #tpu.memory_space<vmem>>, vector<64x64xf32>
    %dot_general3A = arith.constant dense<0.000000e+00> : vector<12000x64xf32>
    %dot_general3A_5 = tpu.matmul %get3A_1, %get3A_4, %dot_general3A {dimension_numbers = #tpu.dot_dimension_numbers<[1], [1], [0], [0], [0, 0, 1, 0], [], []>, transpose_lhs_hint = false} : vector<12000x64xf32>, vector<64x64xf32>, vector<12000x64xf32> -> vector<12000x64xf32>
    %get3A_6 = arith.constant 0 : index
    %get3A_7 = arith.constant 0 : index
    %get3A_8 = vector.load %arg4[%get3A_6, %get3A_7] : memref<1x64xf32, #tpu.memory_space<vmem>>, vector<1x64xf32>
    %add3A = vector.broadcast %get3A_8 : vector<1x64xf32> to vector<12000x64xf32>
    %add3A_9 = arith.addf %dot_general3A_5, %add3A : vector<12000x64xf32>
    %get3A_10 = arith.constant 0 : index
    %get3A_11 = arith.constant 0 : index
    %get3A_12 = vector.load %arg7[%get3A_10, %get3A_11] : memref<1x64xf32, #tpu.memory_space<vmem>>, vector<1x64xf32>
    %sub3A = vector.broadcast %get3A_12 : vector<1x64xf32> to vector<12000x64xf32>
    %sub3A_13 = arith.subf %add3A_9, %sub3A : vector<12000x64xf32>
    %get3A_14 = arith.constant 0 : index
    %get3A_15 = arith.constant 0 : index
    %get3A_16 = vector.load %arg8[%get3A_14, %get3A_15] : memref<1x64xf32, #tpu.memory_space<vmem>>, vector<1x64xf32>
    %add3A_17 = arith.constant 9.99999974E-6 : f32
    %add3A_18 = vector.broadcast %add3A_17 : f32 to vector<1x64xf32>
    %add3A_19 = arith.addf %get3A_16, %add3A_18 : vector<1x64xf32>
    %sqrt3A = math.sqrt %add3A_19 : vector<1x64xf32>
    %div3A = vector.broadcast %sqrt3A : vector<1x64xf32> to vector<12000x64xf32>
    %div3A_20 = arith.divf %sub3A_13, %div3A : vector<12000x64xf32>
    %get3A_21 = arith.constant 0 : index
    %get3A_22 = arith.constant 0 : index
    %get3A_23 = vector.load %arg5[%get3A_21, %get3A_22] : memref<1x64xf32, #tpu.memory_space<vmem>>, vector<1x64xf32>
    %mul3A = vector.broadcast %get3A_23 : vector<1x64xf32> to vector<12000x64xf32>
    %mul3A_24 = arith.mulf %div3A_20, %mul3A : vector<12000x64xf32>
    %get3A_25 = arith.constant 0 : index
    %get3A_26 = arith.constant 0 : index
    %get3A_27 = vector.load %arg6[%get3A_25, %get3A_26] : memref<1x64xf32, #tpu.memory_space<vmem>>, vector<1x64xf32>
    %add3A_28 = vector.broadcast %get3A_27 : vector<1x64xf32> to vector<12000x64xf32>
    %add3A_29 = arith.addf %mul3A_24, %add3A_28 : vector<12000x64xf32>
    %logistic3A = arith.negf %add3A_29 : vector<12000x64xf32>
    %logistic3A_30 = math.exp %logistic3A : vector<12000x64xf32>
    %logistic3A_31 = arith.constant 1.000000e+00 : f32
    %logistic3A_32 = vector.broadcast %logistic3A_31 : f32 to vector<12000x64xf32>
    %logistic3A_33 = arith.addf %logistic3A_32, %logistic3A_30 : vector<12000x64xf32>
    %logistic3A_34 = arith.divf %logistic3A_32, %logistic3A_33 : vector<12000x64xf32>
    %swap3A = arith.constant 0 : index
    %swap3A_35 = arith.constant 0 : index
    %swap3A_36 = vector.load %arg11[%swap3A, %swap3A_35] : memref<12288x128xf32, #tpu.memory_space<vmem>>, vector<12000x64xf32>
    tpu.vector_store %arg11[%swap3A, %swap3A_35], %logistic3A_34 {strides = array<i32>} : memref<12288x128xf32, #tpu.memory_space<vmem>>, vector<12000x64xf32>,
    %broadcast_in_dim3A = arith.constant 0.000000e+00 : f32
    %broadcast_in_dim3A_37 = vector.broadcast %broadcast_in_dim3A : f32 to vector<12000x64xf32>
    %swap3A_38 = arith.constant 0 : index
    %swap3A_39 = arith.constant 64 : index
    %swap3A_40 = vector.load %arg11[%swap3A_38, %swap3A_39] : memref<12288x128xf32, #tpu.memory_space<vmem>>, vector<12000x64xf32>
    tpu.vector_store %arg11[%swap3A_38, %swap3A_39], %broadcast_in_dim3A_37 {strides = array<i32>} : memref<12288x128xf32, #tpu.memory_space<vmem>>, vector<12000x64xf32>,
    %broadcast_in_dim3A_41 = arith.constant 0.000000e+00 : f32
    %broadcast_in_dim3A_42 = vector.broadcast %broadcast_in_dim3A_41 : f32 to vector<288x128xf32>
    %swap3A_43 = arith.constant 12000 : index
    %swap3A_44 = arith.constant 0 : index
    %swap3A_45 = vector.load %arg11[%swap3A_43, %swap3A_44] : memref<12288x128xf32, #tpu.memory_space<vmem>>, vector<288x128xf32>
    tpu.vector_store %arg11[%swap3A_43, %swap3A_44], %broadcast_in_dim3A_42 {strides = array<i32>} : memref<12288x128xf32, #tpu.memory_space<vmem>>, vector<288x128xf32>,
    %get3A_46 = arith.constant 0 : index
    %get3A_47 = arith.constant 0 : index
    %get3A_48 = vector.load %arg9[%get3A_46, %get3A_47] : memref<1x64xf32, #tpu.memory_space<vmem>>, vector<1x64xf32>
    %dot_general3A_49 = arith.constant dense<0.000000e+00> : vector<1x12000xf32>
    %dot_general3A_50 = tpu.matmul %get3A_48, %logistic3A_34, %dot_general3A_49 {dimension_numbers = #tpu.dot_dimension_numbers<[1], [1], [0], [0], [0, 0, 1, 0], [], []>, transpose_lhs_hint = false} : vector<1x64xf32>, vector<12000x64xf32>, vector<1x12000xf32> -> vector<1x12000xf32>
    %get3A_51 = arith.constant 0 : index
    %get3A_52 = memref.load %arg10[%get3A_51] : memref<5xf32, #tpu.memory_space<smem>>
    %add3A_53 = vector.broadcast %get3A_52 : f32 to vector<1x12000xf32>
    %add3A_54 = arith.addf %dot_general3A_50, %add3A_53 : vector<1x12000xf32>
    %get3A_55 = arith.constant 3 : index
    %get3A_56 = memref.load %arg10[%get3A_55] : memref<5xf32, #tpu.memory_space<smem>>
    %sub3A_57 = vector.broadcast %get3A_56 : f32 to vector<1x12000xf32>
    %sub3A_58 = arith.subf %add3A_54, %sub3A_57 : vector<1x12000xf32>
    %get3A_59 = arith.constant 4 : index
    %get3A_60 = memref.load %arg10[%get3A_59] : memref<5xf32, #tpu.memory_space<smem>>
    %add3A_61 = arith.constant 9.99999974E-6 : f32
    %add3A_62 = arith.addf %get3A_60, %add3A_61 : f32
    %sqrt3A_63 = math.sqrt %add3A_62 : f32
    %div3A_64 = vector.broadcast %sqrt3A_63 : f32 to vector<1x12000xf32>
    %div3A_65 = arith.divf %sub3A_58, %div3A_64 : vector<1x12000xf32>
    %get3A_66 = arith.constant 1 : index
    %get3A_67 = memref.load %arg10[%get3A_66] : memref<5xf32, #tpu.memory_space<smem>>
    %mul3A_68 = vector.broadcast %get3A_67 : f32 to vector<1x12000xf32>
    %mul3A_69 = arith.mulf %div3A_65, %mul3A_68 : vector<1x12000xf32>
    %get3A_70 = arith.constant 2 : index
    %get3A_71 = memref.load %arg10[%get3A_70] : memref<5xf32, #tpu.memory_space<smem>>
    %add3A_72 = vector.broadcast %get3A_71 : f32 to vector<1x12000xf32>
    %add3A_73 = arith.addf %mul3A_69, %add3A_72 : vector<1x12000xf32>
    %logistic3A_74 = arith.negf %add3A_73 : vector<1x12000xf32>
    %logistic3A_75 = math.exp %logistic3A_74 : vector<1x12000xf32>
    %logistic3A_76 = arith.constant 1.000000e+00 : f32
    %logistic3A_77 = vector.broadcast %logistic3A_76 : f32 to vector<1x12000xf32>
    %logistic3A_78 = arith.addf %logistic3A_77, %logistic3A_75 : vector<1x12000xf32>
    %logistic3A_79 = arith.divf %logistic3A_77, %logistic3A_78 : vector<1x12000xf32>
    %bitcast_convert_type3A = tpu.bitcast %logistic3A_79 : vector<1x12000xf32> -> vector<1x12000xi32>
    %scan3A = arith.constant 0 : i32
    %scan3A_80 = arith.constant 2147483647 : i32
    %scan3A_81 = arith.constant 0 : i32
    %scan3A_82 = arith.constant 31 : i32
    %scan3A_83 = arith.addi %scan3A_81, %scan3A_82 : i32
    %scan3A_84 = arith.constant 1 : i32
    %scan3A_85:2 = scf.for %scan3A_171 = %scan3A_81 to %scan3A_83 step %scan3A_84 iter_args(%scan3A_172 = %scan3A, %scan3A_173 = %scan3A_80) -> (i32, i32)  : i32 {
      %add3A_174 = arith.constant 1 : i32
      %add3A_175 = arith.addi %scan3A_172, %add3A_174 : i32
      %sub3A_176 = arith.subi %scan3A_173, %scan3A_172 : i32
      %sub3A_177 = arith.constant 1 : i32
      %sub3A_178 = arith.subi %sub3A_176, %sub3A_177 : i32
      %shift_right_arithmetic3A = arith.constant 1 : i32
      %shift_right_arithmetic3A_179 = arith.shrsi %sub3A_178, %shift_right_arithmetic3A : i32
      %add3A_180 = arith.addi %add3A_175, %shift_right_arithmetic3A_179 : i32
      %ge3A = vector.broadcast %add3A_180 : i32 to vector<1x12000xi32>
      %ge3A_181 = arith.cmpi sge, %bitcast_convert_type3A, %ge3A : vector<1x12000xi32>
      %convert_element_type3A_182 = arith.extui %ge3A_181 : vector<1x12000xi1> to vector<1x12000xi32>
      %reduce_sum3A_183 = vector.shape_cast %convert_element_type3A_182 : vector<1x12000xi32> to vector<1x1x12000xi32>
      %reduce_sum3A_184 = arith.constant dense<0> : vector<1xi32>
      %reduce_sum3A_185 = vector.multi_reduction <add>, %reduce_sum3A_183, %reduce_sum3A_184 [1, 2] : vector<1x1x12000xi32> to vector<1xi32>
      %reduce_sum3A_186 = vector.shape_cast %reduce_sum3A_185 : vector<1xi32> to vector<1x1x1xi32>
      %reduce_sum3A_187 = vector.extract %reduce_sum3A_186[0, 0, 0] : i32 from vector<1x1x1xi32>
      %ge3A_188 = arith.constant 4096 : i32
      %ge3A_189 = arith.cmpi sge, %reduce_sum3A_187, %ge3A_188 : i32
      %select_n3A_190 = arith.select %ge3A_189, %add3A_180, %scan3A_172 : i32
      %sub3A_191 = arith.constant 1 : i32
      %sub3A_192 = arith.subi %add3A_180, %sub3A_191 : i32
      %select_n3A_193 = arith.select %ge3A_189, %scan3A_173, %sub3A_192 : i32
      scf.yield %select_n3A_190, %select_n3A_193 : i32, i32
    }
    %gt3A = vector.broadcast %scan3A_85#0 : i32 to vector<1x12000xi32>
    %gt3A_86 = arith.cmpi sgt, %bitcast_convert_type3A, %gt3A : vector<1x12000xi32>
    %convert_element_type3A = arith.extui %gt3A_86 : vector<1x12000xi1> to vector<1x12000xi32>
    %reduce_sum3A = vector.shape_cast %convert_element_type3A : vector<1x12000xi32> to vector<1x1x12000xi32>
    %reduce_sum3A_87 = arith.constant dense<0> : vector<1xi32>
    %reduce_sum3A_88 = vector.multi_reduction <add>, %reduce_sum3A, %reduce_sum3A_87 [1, 2] : vector<1x1x12000xi32> to vector<1xi32>
    %reduce_sum3A_89 = vector.shape_cast %reduce_sum3A_88 : vector<1xi32> to vector<1x1x1xi32>
    %reduce_sum3A_90 = vector.extract %reduce_sum3A_89[0, 0, 0] : i32 from vector<1x1x1xi32>
    %sub3A_91 = arith.constant 4096 : i32
    %sub3A_92 = arith.subi %sub3A_91, %reduce_sum3A_90 : i32
    %eq3A = vector.broadcast %scan3A_85#0 : i32 to vector<1x12000xi32>
    %eq3A_93 = arith.cmpi eq, %bitcast_convert_type3A, %eq3A : vector<1x12000xi32>
    %iota3A = tpu.iota {dimensions = array<i32: 1>} : vector<1x12000xi32>
    %scan3A_94 = arith.constant 1 : i32
    %scan3A_95 = arith.constant 12000 : i32
    %scan3A_96 = arith.constant 0 : i32
    %scan3A_97 = arith.constant 14 : i32
    %scan3A_98 = arith.addi %scan3A_96, %scan3A_97 : i32
    %scan3A_99 = arith.constant 1 : i32
    %scan3A_100:2 = scf.for %scan3A_171 = %scan3A_96 to %scan3A_98 step %scan3A_99 iter_args(%scan3A_172 = %scan3A_94, %scan3A_173 = %scan3A_95) -> (i32, i32)  : i32 {
      %add3A_174 = arith.addi %scan3A_172, %scan3A_173 : i32
      %shift_right_arithmetic3A = arith.constant 1 : i32
      %shift_right_arithmetic3A_175 = arith.shrsi %add3A_174, %shift_right_arithmetic3A : i32
      %lt3A_176 = vector.broadcast %shift_right_arithmetic3A_175 : i32 to vector<1x12000xi32>
      %lt3A_177 = arith.cmpi slt, %iota3A, %lt3A_176 : vector<1x12000xi32>
      %and3A_178 = arith.andi %eq3A_93, %lt3A_177 : vector<1x12000xi1>
      %convert_element_type3A_179 = arith.extui %and3A_178 : vector<1x12000xi1> to vector<1x12000xi32>
      %reduce_sum3A_180 = vector.shape_cast %convert_element_type3A_179 : vector<1x12000xi32> to vector<1x1x12000xi32>
      %reduce_sum3A_181 = arith.constant dense<0> : vector<1xi32>
      %reduce_sum3A_182 = vector.multi_reduction <add>, %reduce_sum3A_180, %reduce_sum3A_181 [1, 2] : vector<1x1x12000xi32> to vector<1xi32>
      %reduce_sum3A_183 = vector.shape_cast %reduce_sum3A_182 : vector<1xi32> to vector<1x1x1xi32>
      %reduce_sum3A_184 = vector.extract %reduce_sum3A_183[0, 0, 0] : i32 from vector<1x1x1xi32>
      %ge3A = arith.cmpi sge, %reduce_sum3A_184, %sub3A_92 : i32
      %add3A_185 = arith.constant 1 : i32
      %add3A_186 = arith.addi %shift_right_arithmetic3A_175, %add3A_185 : i32
      %select_n3A_187 = arith.select %ge3A, %scan3A_172, %add3A_186 : i32
      %select_n3A_188 = arith.select %ge3A, %shift_right_arithmetic3A_175, %scan3A_173 : i32
      scf.yield %select_n3A_187, %select_n3A_188 : i32, i32
    }
    %gt3A_101 = vector.broadcast %scan3A_85#0 : i32 to vector<1x12000xi32>
    %gt3A_102 = arith.cmpi sgt, %bitcast_convert_type3A, %gt3A_101 : vector<1x12000xi32>
    %lt3A = vector.broadcast %scan3A_100#0 : i32 to vector<1x12000xi32>
    %lt3A_103 = arith.cmpi slt, %iota3A, %lt3A : vector<1x12000xi32>
    %and3A = arith.andi %eq3A_93, %lt3A_103 : vector<1x12000xi1>
    %or3A = arith.ori %gt3A_102, %and3A : vector<1x12000xi1>
    %get3A_104 = arith.constant 0 : index
    %get3A_105 = arith.constant 1 : index
    %get3A_106 = arith.constant 0 : index
    %get3A_107 = vector.load %arg2[%get3A_104, %get3A_105, %get3A_106] : memref<1x4x12288xi32, #tpu.memory_space<vmem>>, vector<1x1x12000xi32>
    %get3A_108 = vector.shape_cast %get3A_107 : vector<1x1x12000xi32> to vector<1x12000xi32>
    %get3A_109 = arith.constant 0 : index
    %get3A_110 = arith.constant 3 : index
    %get3A_111 = arith.constant 0 : index
    %get3A_112 = vector.load %arg2[%get3A_109, %get3A_110, %get3A_111] : memref<1x4x12288xi32, #tpu.memory_space<vmem>>, vector<1x1x12000xi32>
    %get3A_113 = vector.shape_cast %get3A_112 : vector<1x1x12000xi32> to vector<1x12000xi32>
    %mul3A_114 = arith.constant 496 : i32
    %mul3A_115 = vector.broadcast %mul3A_114 : i32 to vector<1x12000xi32>
    %mul3A_116 = arith.muli %get3A_113, %mul3A_115 : vector<1x12000xi32>
    %add3A_117 = arith.addi %get3A_108, %mul3A_116 : vector<1x12000xi32>
    %get3A_118 = arith.constant 0 : index
    %get3A_119 = arith.constant 2 : index
    %get3A_120 = arith.constant 0 : index
    %get3A_121 = vector.load %arg2[%get3A_118, %get3A_119, %get3A_120] : memref<1x4x12288xi32, #tpu.memory_space<vmem>>, vector<1x1x12000xi32>
    %get3A_122 = vector.shape_cast %get3A_121 : vector<1x1x12000xi32> to vector<1x12000xi32>
    %add3A_123 = arith.addi %add3A_117, %get3A_122 : vector<1x12000xi32>
    %mul3A_124 = arith.constant 222208 : i32
    %mul3A_125 = arith.muli %arg0, %mul3A_124 : i32
    %add3A_126 = vector.broadcast %mul3A_125 : i32 to vector<1x12000xi32>
    %add3A_127 = arith.addi %add3A_126, %add3A_123 : vector<1x12000xi32>
    %mul3A_128 = arith.constant 222208 : i32
    %mul3A_129 = arith.muli %arg0, %mul3A_128 : i32
    %add3A_130 = arith.constant 214272 : i32
    %add3A_131 = arith.addi %mul3A_129, %add3A_130 : i32
    %broadcast_in_dim3A_132 = vector.broadcast %add3A_131 : i32 to vector<1x12000xi32>
    %select_n3A = arith.select %or3A, %add3A_127, %broadcast_in_dim3A_132 : vector<1x12000xi1>, vector<1x12000xi32>
    %swap3A_133 = arith.constant 0 : index
    %swap3A_134 = arith.constant 0 : index
    %swap3A_135 = arith.constant 0 : index
    %swap3A_136 = vector.load %arg12[%swap3A_133, %swap3A_134, %swap3A_135] : memref<1x1x12288xi32, #tpu.memory_space<vmem>>, vector<1x1x12000xi32>
    %swap3A_137 = vector.shape_cast %swap3A_136 : vector<1x1x12000xi32> to vector<1x12000xi32>
    %swap3A_138 = vector.shape_cast %select_n3A : vector<1x12000xi32> to vector<1x1x12000xi32>
    tpu.vector_store %arg12[%swap3A_133, %swap3A_134, %swap3A_135], %swap3A_138 {strides = array<i32>} : memref<1x1x12288xi32, #tpu.memory_space<vmem>>, vector<1x1x12000xi32>,
    %broadcast_in_dim3A_139 = arith.constant 214272 : i32
    %broadcast_in_dim3A_140 = vector.broadcast %broadcast_in_dim3A_139 : i32 to vector<1x288xi32>
    %mul3A_141 = arith.constant 222208 : i32
    %mul3A_142 = arith.muli %arg0, %mul3A_141 : i32
    %add3A_143 = vector.broadcast %mul3A_142 : i32 to vector<1x288xi32>
    %add3A_144 = arith.addi %broadcast_in_dim3A_140, %add3A_143 : vector<1x288xi32>
    %swap3A_145 = arith.constant 0 : index
    %swap3A_146 = arith.constant 0 : index
    %swap3A_147 = arith.constant 12000 : index
    %swap3A_148 = vector.load %arg12[%swap3A_145, %swap3A_146, %swap3A_147] : memref<1x1x12288xi32, #tpu.memory_space<vmem>>, vector<1x1x288xi32>
    %swap3A_149 = vector.shape_cast %swap3A_148 : vector<1x1x288xi32> to vector<1x288xi32>
    %swap3A_150 = vector.shape_cast %add3A_144 : vector<1x288xi32> to vector<1x1x288xi32>
    tpu.vector_store %arg12[%swap3A_145, %swap3A_146, %swap3A_147], %swap3A_150 {strides = array<i32>} : memref<1x1x12288xi32, #tpu.memory_space<vmem>>, vector<1x1x288xi32>,
    %reduce_sum3A_151 = vector.shape_cast %logistic3A_79 : vector<1x12000xf32> to vector<1x1x12000xf32>
    %reduce_sum3A_152 = arith.constant dense<0.000000e+00> : vector<1xf32>
    %reduce_sum3A_153 = vector.multi_reduction <add>, %reduce_sum3A_151, %reduce_sum3A_152 [1, 2] : vector<1x1x12000xf32> to vector<1xf32>
    %reduce_sum3A_154 = vector.shape_cast %reduce_sum3A_153 : vector<1xf32> to vector<1x1x1xf32>
    %reduce_sum3A_155 = vector.extract %reduce_sum3A_154[0, 0, 0] : f32 from vector<1x1x1xf32>
    %jit3A = arith.constant 0.000000e+00 : f32
    %broadcast_in_dim3A_156 = vector.broadcast %jit3A : f32 to vector<1x12000xf32>
    %select_n3A_157 = arith.select %or3A, %logistic3A_79, %broadcast_in_dim3A_156 : vector<1x12000xi1>, vector<1x12000xf32>
    %reduce_sum3A_158 = vector.shape_cast %select_n3A_157 : vector<1x12000xf32> to vector<1x1x12000xf32>
    %reduce_sum3A_159 = arith.constant dense<0.000000e+00> : vector<1xf32>
    %reduce_sum3A_160 = vector.multi_reduction <add>, %reduce_sum3A_158, %reduce_sum3A_159 [1, 2] : vector<1x1x12000xf32> to vector<1xf32>
    %reduce_sum3A_161 = vector.shape_cast %reduce_sum3A_160 : vector<1xf32> to vector<1x1x1xf32>
    %reduce_sum3A_162 = vector.extract %reduce_sum3A_161[0, 0, 0] : f32 from vector<1x1x1xf32>
    %sub3A_163 = arith.subf %reduce_sum3A_155, %reduce_sum3A_162 : f32
    %div3A_164 = arith.constant 7.904000e+03 : f32
    %div3A_165 = arith.divf %sub3A_163, %div3A_164 : f32
    %broadcast_in_dim3A_166 = vector.broadcast %div3A_165 : f32 to vector<1x1x128xf32>
    %swap3A_167 = arith.constant 0 : index
    %swap3A_168 = arith.constant 0 : index
    %swap3A_169 = arith.constant 0 : index
    %swap3A_170 = vector.load %arg13[%swap3A_167, %swap3A_168, %swap3A_169] : memref<1x1x128xf32, #tpu.memory_space<vmem>>, vector<1x1x128xf32>
    tpu.vector_store %arg13[%swap3A_167, %swap3A_168, %swap3A_169], %broadcast_in_dim3A_166 {strides = array<i32>} : memref<1x1x128xf32, #tpu.memory_space<vmem>>, vector<1x1x128xf32>,
    return
  }
  func.func @transform_0(%arg0: i32) -> (i32, i32) {
    %c0_i32 = arith.constant 0 : i32
    %c0_i32_0 = arith.constant 0 : i32
    return %arg0, %c0_i32 : i32, i32
  }
  func.func @transform_1(%arg0: i32) -> (i32, i32, i32) {
    %c0_i32 = arith.constant 0 : i32
    %c0_i32_0 = arith.constant 0 : i32
    %c0_i32_1 = arith.constant 0 : i32
    return %arg0, %c0_i32, %c0_i32_0 : i32, i32, i32
  }
  func.func @transform_2(%arg0: i32) -> (i32, i32) {
    %c0_i32 = arith.constant 0 : i32
    %c0_i32_0 = arith.constant 0 : i32
    %c0_i32_1 = arith.constant 0 : i32
    return %c0_i32, %c0_i32_0 : i32, i32
  }
  func.func @transform_3(%arg0: i32) -> (i32, i32) {
    %c0_i32 = arith.constant 0 : i32
    %c0_i32_0 = arith.constant 0 : i32
    %c0_i32_1 = arith.constant 0 : i32
    return %c0_i32, %c0_i32_0 : i32, i32
  }
  func.func @transform_4(%arg0: i32) -> (i32, i32) {
    %c0_i32 = arith.constant 0 : i32
    %c0_i32_0 = arith.constant 0 : i32
    %c0_i32_1 = arith.constant 0 : i32
    return %c0_i32, %c0_i32_0 : i32, i32
  }
  func.func @transform_5(%arg0: i32) -> (i32, i32) {
    %c0_i32 = arith.constant 0 : i32
    %c0_i32_0 = arith.constant 0 : i32
    %c0_i32_1 = arith.constant 0 : i32
    return %c0_i32, %c0_i32_0 : i32, i32
  }
  func.func @transform_6(%arg0: i32) -> (i32, i32) {
    %c0_i32 = arith.constant 0 : i32
    %c0_i32_0 = arith.constant 0 : i32
    %c0_i32_1 = arith.constant 0 : i32
    return %c0_i32, %c0_i32_0 : i32, i32
  }
  func.func @transform_7(%arg0: i32) -> (i32, i32) {
    %c0_i32 = arith.constant 0 : i32
    %c0_i32_0 = arith.constant 0 : i32
    %c0_i32_1 = arith.constant 0 : i32
    return %c0_i32, %c0_i32_0 : i32, i32
  }
  func.func @transform_8(%arg0: i32) -> (i32, i32) {
    %c0_i32 = arith.constant 0 : i32
    %c0_i32_0 = arith.constant 0 : i32
    %c0_i32_1 = arith.constant 0 : i32
    return %c0_i32, %c0_i32_0 : i32, i32
  }
  func.func @transform_9(%arg0: i32) -> i32 {
    %c0_i32 = arith.constant 0 : i32
    %c0_i32_0 = arith.constant 0 : i32
    return %c0_i32 : i32
  }
  func.func @transform_10(%arg0: i32) -> (i32, i32) {
    %c0_i32 = arith.constant 0 : i32
    %c0_i32_0 = arith.constant 0 : i32
    return %arg0, %c0_i32 : i32, i32
  }
  func.func @transform_11(%arg0: i32) -> (i32, i32, i32) {
    %c0_i32 = arith.constant 0 : i32
    %c0_i32_0 = arith.constant 0 : i32
    %c0_i32_1 = arith.constant 0 : i32
    return %arg0, %c0_i32, %c0_i32_0 : i32, i32, i32
  }
  func.func @transform_12(%arg0: i32) -> (i32, i32, i32) {
    %c0_i32 = arith.constant 0 : i32
    %c0_i32_0 = arith.constant 0 : i32
    %c0_i32_1 = arith.constant 0 : i32
    return %arg0, %c0_i32, %c0_i32_0 : i32, i32, i32
  }
}

module attributes {stable_mosaic.version = 14 : i64} {
  func.func @_expand_body(%arg0: i32, %arg1: i32, %arg2: memref<3968x128xf32, #tpu.memory_space<vmem>>, %arg3: memref<1x1736x128xi32, #tpu.memory_space<vmem>>, %arg4: memref<1x64x3968xf32, #tpu.memory_space<vmem>>) attributes {dimension_semantics = [#tpu.dimension_semantics<arbitrary>, #tpu.dimension_semantics<arbitrary>], iteration_bounds = array<i64: 4, 54>, scalar_prefetch = 0 : i64, scratch_operands = 0 : i64, tpu.core_type = #tpu.core_type<tc>, window_params = [{transform_indices = @transform_0, window_bounds = array<i64: 3968, 128>}, {transform_indices = @transform_1, window_bounds = array<i64: 1, 1736, 128>}, {transform_indices = @transform_2, window_bounds = array<i64: 1, 64, 3968>}]} {
    %get3A = arith.constant 0 : index
    %get3A_0 = arith.constant 0 : index
    %get3A_1 = vector.load %arg2[%get3A, %get3A_0] : memref<3968x128xf32, #tpu.memory_space<vmem>>, vector<3968x64xf32>
    %transpose3A = tpu.transpose %get3A_1, [1, 0] : vector<3968x64xf32> -> vector<64x3968xf32>
    %mul3A = arith.constant 31 : i32
    %mul3A_2 = arith.muli %arg1, %mul3A : i32
    %get3A_3 = arith.constant 0 : index
    %get3A_4 = arith.index_cast %mul3A_2 : i32 to index
    %get3A_5 = arith.constant 0 : index
    %get3A_6 = vector.load %arg3[%get3A_3, %get3A_4, %get3A_5] : memref<1x1736x128xi32, #tpu.memory_space<vmem>>, vector<1x31x128xi32>
    %get3A_7 = vector.shape_cast %get3A_6 : vector<1x31x128xi32> to vector<31x128xi32>
    %reshape3A = vector.shape_cast %transpose3A : vector<64x3968xf32> to vector<64x31x128xf32>
    %broadcast_in_dim3A = vector.shape_cast %get3A_7 : vector<31x128xi32> to vector<1x31x128xi32>
    %ne3A = arith.constant 0 : i32
    %ne3A_8 = vector.broadcast %ne3A : i32 to vector<1x31x128xi32>
    %ne3A_9 = arith.cmpi ne, %broadcast_in_dim3A, %ne3A_8 : vector<1x31x128xi32>
    %jit3A = arith.constant 0.000000e+00 : f32
    %broadcast_in_dim3A_10 = vector.shape_cast %ne3A_9 : vector<1x31x128xi1> to vector<1x31x128xi1>
    %broadcast_in_dim3A_11 = vector.broadcast %broadcast_in_dim3A_10 : vector<1x31x128xi1> to vector<64x31x128xi1>
    %broadcast_in_dim3A_12 = vector.broadcast %jit3A : f32 to vector<64x31x128xf32>
    %select_n3A = arith.select %broadcast_in_dim3A_11, %reshape3A, %broadcast_in_dim3A_12 : vector<64x31x128xi1>, vector<64x31x128xf32>
    %reshape3A_13 = vector.shape_cast %select_n3A : vector<64x31x128xf32> to vector<1x64x3968xf32>
    %swap3A = arith.constant 0 : index
    %swap3A_14 = arith.constant 0 : index
    %swap3A_15 = arith.constant 0 : index
    %swap3A_16 = vector.load %arg4[%swap3A, %swap3A_14, %swap3A_15] : memref<1x64x3968xf32, #tpu.memory_space<vmem>>, vector<1x64x3968xf32>
    tpu.vector_store %arg4[%swap3A, %swap3A_14, %swap3A_15], %reshape3A_13 {strides = array<i32>} : memref<1x64x3968xf32, #tpu.memory_space<vmem>>, vector<1x64x3968xf32>,
    return
  }
  func.func @transform_0(%arg0: i32, %arg1: i32) -> (i32, i32) {
    %mul3A = arith.constant 56 : i32
    %mul3A_0 = arith.muli %arg0, %mul3A : i32
    %add3A = arith.addi %mul3A_0, %arg1 : i32
    %c0_i32 = arith.constant 0 : i32
    %c0_i32_1 = arith.constant 0 : i32
    return %add3A, %c0_i32 : i32, i32
  }
  func.func @transform_1(%arg0: i32, %arg1: i32) -> (i32, i32, i32) {
    %c0_i32 = arith.constant 0 : i32
    %c0_i32_0 = arith.constant 0 : i32
    %c0_i32_1 = arith.constant 0 : i32
    return %arg0, %c0_i32, %c0_i32_0 : i32, i32, i32
  }
  func.func @transform_2(%arg0: i32, %arg1: i32) -> (i32, i32, i32) {
    %c0_i32 = arith.constant 0 : i32
    %c0_i32_0 = arith.constant 0 : i32
    return %arg0, %c0_i32, %arg1 : i32, i32, i32
  }
}

</mosaic_0001>

<sc_bundles>
// kernel: kernel.6.cloned.1.call-start
scs
__scs_entry_jumppad:
0x0: {  	(pc) =	sbr.rel $0x88, $3  }
0x1: {  	(tag) =	ssettag $0x0;
	lr =	simm.s32 $0x1  }
0x2: {  	[smem:$0x3F93] =	sst lr;
	_ =	strace $0xD0000000  }
0x3: {  	_ = 	snop  }
0x4: {  	_ = 	snop  }
0x5: {  	_ = 	snop  }
0x6: {  	_ = 	snop  }
0x7: {  	_ = 	snop  }
__scs_overlays_trampoline_lowered:
0x8: {  	[smem:$0x3FA2] =	sst s0  }
0x9: {  	[smem:$0x3FA3] =	sst s1  }
0xa: {  	[smem:$0x3FA4] =	sst s2  }
0xb: {  	[smem:$0x3FA5] =	sst s3  }
0xc: {  	[smem:$0x3FA6] =	sst s4  }
0xd: {  	[smem:$0x3FA7] =	sst s5  }
0xe: {  	[smem:$0x3FA8] =	sst s6  }
0xf: {  	[smem:$0x3FA9] =	sst s7  }
0x10: {  	[smem:$0x3FAA] =	sst s8  }
0x11: {  	[smem:$0x3FAB] =	sst s9;
	s0 =	simm.s32 @!p0 $0x0  }
0x12: {  	s1 =	sld [smem:$0x3F91];
	s0 =	simm.s32 @p0 $0x1  }
0x13: {  	[smem:$0x3FAC] =	sst s0;
	s0 =	simm.s32 @!p1 $0x0  }
0x14: {  	s2 =	sld [smem:$0x3F90];
	s0 =	simm.s32 @p1 $0x1  }
0x15: {  	[smem:$0x3FAD] =	sst s0;
	s0 =	simm.s32 @!p2 $0x0  }
0x16: {  	s3 =	sld [smem:$0x3FDB];
	s0 =	simm.s32 @p2 $0x1  }
0x17: {  	s4 =	simm.s32 $0x1BF5;
	[smem:$0x3FAF] =	sst s0  }
0x18: {  	s0 =	sld [smem:$0x3F92];
	_ =	swait.ge [sflag:s4], $0x0  }
0x19: {  	s7 =	sld [smem:$0x3F93]  }
0x1a: {  	s8 =	sadd.s32 $0xFFFFE003, lr  }
0x1b: {  	s9 =	sadd.s32 $0xFFFFFEF7, lr;
	s5 =	simm.s32 $0xFFFFFFFF;
	p2 =	slt.u32 s8, $0xFFFFF086  }
0x1c: {  	p1 =	slt.u32 s9, $0xF7A;
	s5 =	simm.s32 @!p2 $0x0  }
0x1d: {  	s5 =	simm.s32 @p1 $0x1;
	p0 =	seq.s32 s7, s2  }
0x1e: {  	s7 =	smul.u32 @!p0 $0xF7A, s2;
	p2 =	seq.s32 @!p0 s5, $0x0  }
0x1f: {  	s9 =	smul.u32 $0xF7A, s1;
	s8 =	simm.s32 @!p0 $0x1BF5;
	p2 =	por !p2, p0  }
0x20: {  	[sflag:s8] =	ssyncset.s32 @!p0 $0xFFFFF086;
	s6 =	sadd.s32 @!p0 s3, s7;
	s7 =	simm.s32 @!p0 $0x108  }
0x21: {  	s3 =	sadd.s32 s3, s9;
	s6 =	sadd.s32 @!p0 $0x88, s6;
	s7 =	simm.s32 @p2 $0x1082  }
0x22: {  	[simem:s7], [sflag:s8] =	dma.local @!p0 [hbm:s6], $0xF7A  }
0x23: {  	s9 =	sor.u32 $0xD0000000, s2;
	s6 =	simm.s32 $0x108;
	_ =	swait.ge @!p0 [sflag:s8], $0x0  }
0x24: {  	s3 =	sadd.s32 $0x88, s3;
	s6 =	simm.s32 @!p1 $0x1082;
	[sflag:s4] =	ssyncset.s32 $0xFFFFF086  }
0x25: {  	[simem:s6], [sflag:s4] =	dma.local [hbm:s3], $0xF7A  }
0x26: {  	[smem:$0x3F93] =	sst s1;
	(tag) =	ssettag s2;
	_ =	strace s9  }
0x27: {  	s1 =	sld [smem:$0x3FA3]  }
0x28: {  	s2 =	sld [smem:$0x3FA4]  }
0x29: {  	s4 =	sld [smem:$0x3FA6]  }
0x2a: {  	p0 =	seq.s32 s5, $0x0;
	s5 =	sld [smem:$0x3FA7]  }
0x2b: {  	s6 =	sld [smem:$0x3FA8]  }
0x2c: {  	s7 =	sld [smem:$0x3FA9]  }
0x2d: {  	s3 =	simm.s32 $0x108;
	s8 =	sld [smem:$0x3FAA]  }
0x2e: {  	s3 =	simm.s32 @!p0 $0x1082;
	s9 =	sld [smem:$0x3FAB]  }
0x2f: {  	lr =	sadd.s32 s0, s3;
	s0 =	sld [smem:$0x3FA2]  }
0x30: {  	s3 =	sld [smem:$0x3FA5]  }
0x31: {  	[smem:$0x3FAE] =	sst s10  }
0x32: {  	s10 =	sld [smem:$0x3FAC];
	_ =	sdelay $0x3  }
0x33: {  	p0 =	seq.s32 s10, $0x1;
	s10 =	sld [smem:$0x3FAE];
	_ =	sdelay $0x3  }
0x34: {  	[smem:$0x3FAE] =	sst s10  }
0x35: {  	s10 =	sld [smem:$0x3FAD];
	_ =	sdelay $0x3  }
0x36: {  	p1 =	seq.s32 s10, $0x1;
	s10 =	sld [smem:$0x3FAE];
	_ =	sdelay $0x3  }
0x37: {  	[smem:$0x3FAE] =	sst s10  }
0x38: {  	s10 =	sld [smem:$0x3FAF]  }
0x39: {  	_ = 	snop;
	(pc) =	sbr.ind lr, $3  }
0x3a: {  	_ = 	snop  }
0x3b: {  	_ = 	snop  }
0x3c: {  	p2 =	seq.s32 s10, $0x1;
	s10 =	sld [smem:$0x3FAE]  }
0x3d: {  	_ =	shalt  }
0x3e: {  	_ =	shalt  }
0x3f: {  	_ =	shalt  }
0x40: {  	_ =	shalt  }
0x41: {  	_ =	shalt  }
0x42: {  	_ =	shalt  }
0x43: {  	_ =	shalt  }
0x44: {  	_ =	shalt  }
0x45: {  	_ =	shalt  }
0x46: {  	_ =	shalt  }
0x47: {  	_ =	shalt  }
0x48: {  	_ =	shalt  }
0x49: {  	_ =	shalt  }
0x4a: {  	_ =	shalt  }
0x4b: {  	_ =	shalt  }
0x4c: {  	_ =	shalt  }
0x4d: {  	_ =	shalt  }
0x4e: {  	_ =	shalt  }
0x4f: {  	_ =	shalt  }
0x50: {  	_ =	shalt  }
0x51: {  	_ =	shalt  }
0x52: {  	_ =	shalt  }
0x53: {  	_ =	shalt  }
0x54: {  	_ =	shalt  }
0x55: {  	_ =	shalt  }
0x56: {  	_ =	shalt  }
0x57: {  	_ =	shalt  }
0x58: {  	_ =	shalt  }
0x59: {  	_ =	shalt  }
0x5a: {  	_ =	shalt  }
0x5b: {  	_ =	shalt  }
0x5c: {  	_ =	shalt  }
0x5d: {  	_ =	shalt  }
0x5e: {  	_ =	shalt  }
0x5f: {  	_ =	shalt  }
0x60: {  	_ =	shalt  }
0x61: {  	_ =	shalt  }
0x62: {  	_ =	shalt  }
0x63: {  	_ =	shalt  }
0x64: {  	_ =	shalt  }
0x65: {  	_ =	shalt  }
0x66: {  	_ =	shalt  }
0x67: {  	_ =	shalt  }
0x68: {  	_ =	shalt  }
0x69: {  	_ =	shalt  }
0x6a: {  	_ =	shalt  }
0x6b: {  	_ =	shalt  }
0x6c: {  	_ =	shalt  }
0x6d: {  	_ =	shalt  }
0x6e: {  	_ =	shalt  }
0x6f: {  	_ =	shalt  }
0x70: {  	_ =	shalt  }
0x71: {  	_ =	shalt  }
0x72: {  	_ =	shalt  }
0x73: {  	_ =	shalt  }
0x74: {  	_ =	shalt  }
0x75: {  	_ =	shalt  }
0x76: {  	_ =	shalt  }
0x77: {  	_ =	shalt  }
0x78: {  	_ =	shalt  }
0x79: {  	_ =	shalt  }
0x7a: {  	_ =	shalt  }
0x7b: {  	_ =	shalt  }
0x7c: {  	_ =	shalt  }
0x7d: {  	_ =	shalt  }
0x7e: {  	_ =	shalt  }
0x7f: {  	_ =	shalt  }
0x80: {  	_ =	shalt  }
0x81: {  	_ =	shalt  }
0x82: {  	_ =	shalt  }
0x83: {  	_ =	shalt  }
0x84: {  	_ =	shalt  }
0x85: {  	_ =	shalt  }
0x86: {  	_ =	shalt  }
0x87: {  	_ =	shalt  }
.Lfunc_end0:
.L_simem_size_0:
called_computation_lowered:
.L_overlay_start_0:
0x88: {  	s2 =	sld [smem:$0x3FD9]  }
0x89: {  	s3 =	sld [smem:$0x3FFE];
	_ =	sdelay $0x1  }
0x8a: {  	s1 =	srdreg.scid  }
0x8b: {  	s0 =	sand.u32 $0x1, s1  }
0x8c: {  	s15 =	sshll.u32 s0, $0xA;
	s2 =	sadd.s32 s3, s2  }
0x8d: {  	s2 =	sadd.s32 s2, s15  }
0x8e: {  	[smem:$0x3FBA] =	sst s2  }
0x8f: {  	_ = 	snop  }
0x90: {  	s2 =	sld [smem:$0x3FD0];
	_ =	sdelay $0x2  }
0x91: {  	s16 =	simm.s32 $0xB;
	s4 =	simm.s32 $0x10  }
0x92: {  	[smem:s4], [sflag:s16] =	dma.local [hbm:s2], $0x1  }
0x93: {  	_ =	swait.eq [sflag:s16], $0x1  }
0x94: {  	[sflag:s16] =	ssyncset.done $0x0  }
0x95: {  	[sflag:s16] =	ssyncadd.s32 $0xFFFFFFFF  }
0x96: {  	s17 =	sld [smem:$0x10];
	(tm) =	ssettm $0x1  }
0x97: {  	s18 =	sld [smem:$0x3FFB];
	_ =	sdelay $0x3  }
0x98: {  	_ =	strace s18  }
0x99: {  	s2 =	sld [smem:$0x3FFC];
	_ =	sdelay $0x3  }
0x9a: {  	_ =	strace s2  }
0x9b: {  	s2 =	sld [smem:$0x3FFD];
	_ =	sdelay $0x3  }
0x9c: {  	_ =	strace s2  }
0x9d: {  	_ =	strace $0x8FFFFFFF  }
0x9e: {  	s19 =	sld [smem:$0x3FDB];
	_ =	sdelay $0x1  }
0x9f: {  	s20 =	simm.s32 $_scs_section_size  }
0xa0: {  	s5 =	simm.s32 $_size__tile_overlayer_lowered;
	s6 =	simm.s32 $_tile_overlayer_lowered  }
0xa1: {  	s7 =	simm.s32 $0x1BFF;
	s21 =	sshll.u32 s6, $0x1;
	s4 =	sadd.s32 s20, s19  }
0xa2: {  	s22 =	simm.s32 $0x0;
	s5 =	sshll.u32 s5, $0x1;
	s6 =	sadd.s32 s21, s4  }
0xa3: {  	[timem:s22], [sflag:s7] =	dma.local [hbm:s6], s5  }
0xa4: {  	_ =	swait.ge [sflag:s7], s5  }
0xa5: {  	s5 =	ssub.s32 $0x0, s5;
	[sflag:s7] =	ssyncset.done $0x0  }
0xa6: {  	[sflag:s7] =	ssyncadd.s32 s5;
	_ =	sdelay $0x1  }
0xa7: {  	s23 =	simm.s32 $0x1B8B  }
0xa8: {  	_ =	swait.ge [sflag:s23], $0x1  }
0xa9: {  	[sflag:s23] =	ssyncset.done $0x0  }
0xaa: {  	[sflag:s23] =	ssyncadd.s32 $0xFFFFFFFF  }
0xab: {  	s5 =	sld [smem:$0x0]  }
0xac: {  	s6 =	sand.u32 $0xFFFFFFFE, s1  }
0xad: {  	p0 =	sne.s32 s1, s6  }
0xae: {  	s6 =	sshll.u32 @p0 s6, $0xE  }
0xaf: {  	s6 =	sadd.s32 @p0 $0x11B8D, s6;
	s7 =	sshll.u32 @p0 s5, $0x11  }
0xb0: {  	s6 =	sor.u32 @p0 s7, s6  }
0xb1: {  	[sflag:s6] =	ssyncadd.remote.s32 @p0 $0x1;
	_ =	sdelay $0x1  }
0xb2: {  	s6 =	simm.s32 @p0 $0x1B8D  }
0xb3: {  	_ =	swait.eq @p0 [sflag:s6], $0x1  }
0xb4: {  	[sflag:s6] =	ssyncadd.s32 @p0 $0xFFFFFFFF  }
0xb5: {  	s7 =	sshll.u32 @!p0 s1, $0xE  }
0xb6: {  	s7 =	sor.u32 @!p0 $0x4000, s7;
	s6 =	simm.s32 @!p0 $0x1B8D  }
0xb7: {  	s5 =	sshll.u32 @!p0 s5, $0x11;
	s7 =	sadd.s32 @!p0 $0x11B8D, s7;
	_ =	swait.eq @!p0 [sflag:s6], $0x1  }
0xb8: {  	s5 =	sor.u32 @!p0 s5, s7;
	[sflag:s6] =	ssyncadd.s32 @!p0 $0xFFFFFFFF  }
0xb9: {  	s25 =	simm.s32 $0x1B8E;
	s24 =	sld [smem:$0x3FFE];
	[sflag:s5] =	ssyncadd.remote.s32 @!p0 $0x1  }
0xba: {  	s26 =	simm.s32 $execute0_lowered;
	[smem:$0x3FD2] =	sst s25  }
0xbb: {  	s6 =	sshll.u32 s26, $0x1;
	_ =	strace $0x80000049;
	[dreg:$0x1] =	wrdreg $0xFFFFFFFF  }
0xbc: {  	s28 =	simm.s32 $_size_execute0_lowered;
	s4 =	sadd.s32 s4, s6;
	[dreg:$0x0] =	wrdreg $0x0  }
0xbd: {  	s6 =	sshll.u32 s28, $0x1;
	[dreg:$0x2] =	wrdreg s4  }
0xbe: {  	[dreg:$0x3] =	wrdreg s6  }
0xbf: {  	[dreg:$0x4] =	wrdreg $0xC0  }
0xc0: {  	_ =	task [dreg:s22], $0x5FFFF  }
0xc1: {  	[dreg:$0x1] =	wrdreg $0xFFFFFFFF  }
0xc2: {  	[dreg:$0x0] =	wrdreg $0x60  }
0xc3: {  	[dreg:$0x2] =	wrdreg s17  }
0xc4: {  	[dreg:$0x3] =	wrdreg s24  }
0xc5: {  	[dreg:$0x4] =	wrdreg $0x9  }
0xc6: {  	_ =	task.clear_ibuf [dreg:s22], $0x5FFFF;
	_ =	strace $0x90000049  }
0xc7: {  	s29 =	simm.s32 $0x9;
	_ =	strace $0x8000004B  }
0xc8: {  	_ =	swait.ge [sflag:s29], $0x1  }
0xc9: {  	[sflag:s29] =	ssyncadd.s32 $0xFFFFFFFF  }
0xca: {  	_ =	strace $0x9000004B  }
0xcb: {  	_ =	sfence  }
0xcc: {  	s30 =	sld [smem:$0x0];
	_ =	sdelay $0x2  }
0xcd: {  	s31 =	sshll.u32 s1, $0xD;
	s1 =	sshrl.u32 s1, $0x2  }
0xce: {  	s4 =	sand.u32 $0x4000, s31;
	s1 =	sadd.s32 s1, s30  }
0xcf: {  	s0 =	sor.u32 s4, s0;
	s1 =	sshll.u32 s1, $0x11  }
0xd0: {  	s0 =	sor.u32 s1, s0  }
0xd1: {  	s0 =	sadd.s32 $0x8F2B, s0  }
0xd2: {  	[sflag:s0] =	ssyncadd.remote.s32 $0x1  }
0xd3: {  	_ =	sfence.sel $0xFFFF  }
0xd4: {  	[dreg:$0x0] =	wrdreg $0xFFFFFFFF;
	(pc) =	sbr.abs _section_cstart, $3  }
0xd5: {  	[dreg:$0x1] =	wrdreg $0xFFFFFFFF  }
0xd6: {  	_ =	task.clear_ibuf [dreg:s22], $0x2FFFF;
	_ =	strace $0x9FFFFFFF  }
0xd7: {  	(tm) =	ssettm $0x7FFFFFFF  }
tec
execute0_lowered:
.L_overlay_start_1:
0x0: {  	(tag) =	ssettag $0x1  }
0x1: {  	s5 =	rddreg [dreg:$0x0]  }
0x2: {  	s3 =	rddreg [dreg:$0x1]  }
0x3: {  	s0 =	rddreg [dreg:$0x2]  }
0x4: {  	s4 =	srdreg.scid;
	s2 =	simm.s32 $0x0;
	s1 =	stileid.u32  }
0x5: {  	s10 =	simm.s32 $0x0;
	s4 =	sand.u32 $0x1, s4;
	[smem:$0x7FF] =	sst s2  }
0x6: {  	s6 =	sshll.u32 s1, $0x8;
	s9 =	smul.u32 $0x6000, s1;
	s7 =	sshll.u32 s4, $0xC  }
0x7: {  	s29 =	ssub.s32 $0x2, s4;
	s8 =	smul.u32 $0x60000, s4;
	s6 =	sor.u32 s6, s7  }
0x8: {  	_ =	strace $0x8000004A;
	s30 =	sshrl.u32 s29, $0x1;
	s6 =	sadd.s32 s6, s3  }
0x9: {  	s3 =	sadd.s32 $0x20C00, s3;
	s7 =	ssub.s32 s29, s30;
	s31 =	sadd.s32 s8, s5  }
0xa: {  	s8 =	simm.s32 $0x800;
	s4 =	sadd.s32 $0x1EC00, s6;
	s5 =	smax.u32 s7, $0x1  }
0xb: {  	s6 =	sadd.s32 s9, s31;
	s7 =	simm.s32 $0x1;
	s9 =	simm.s32 $0x80  }
.LBB2_1:
0xc: {  	[tilespmem:s2], [sflag:$0x1] =	stream.linear.gather [hbm4b:s4+s2], $0x600, $0x38;
	[tilespmem:$0x4800] =	vst v63  }
0xd: {  	_ =	swait.ge [sflag:s7], $0x600  }
0xe: {  	[sflag:s7] =	ssyncset.done $0x0  }
0xf: {  	[sflag:s7] =	ssyncadd.s32 $0xFFFFFA00  }
0x10: {  	[tilespmem:s8], [sflag:$0x1] =	stream.linear.gather [hbm4b:s6+s2], $0x4000, $0x38;
	[tilespmem:$0x4800] =	vst v63  }
0x11: {  	_ =	swait.ge [sflag:s7], $0x4000  }
0x12: {  	[sflag:s7] =	ssyncset.done $0x0  }
0x13: {  	s11 =	simm.s32 $0x0;
	[sflag:s7] =	ssyncadd.s32 $0xFFFFC000  }
0x14: {  	[hbm4b:s3+s9] =	stream.indirect.scatter [tilespmem:s8], [sflag:$0x1], $0x80, s11, s9, $0xb8;
	[tilespmem:$0x4800] =	vst v63  }
0x15: {  	_ =	swait.ge [sflag:s7], $0x4000  }
0x16: {  	s12 =	smov.u32 s6;
	s11 =	simm.s32 $0x200;
	[sflag:s7] =	ssyncset.done $0x0  }
.LBB2_2:
0x17: {  	p0 =	sne.s32 s11, $0x1600;
	[sflag:s7] =	ssyncadd.s32 $0xFFFFC000;
	s12 =	sadd.s32 $0x800, s12  }
0x18: {  	[tilespmem:s8], [sflag:$0x1] =	stream.linear.gather [hbm4b:s12+s2], $0x4000, $0x38;
	[tilespmem:$0x4800] =	vst v63  }
0x19: {  	s13 =	smov.u32 s11;
	s11 =	sadd.s32 $0x200, s11;
	_ =	swait.ge [sflag:s7], $0x4000  }
.Ltmp0:
0x1a: {  	[sflag:s7] =	ssyncset.done $0x0;
	(pc) =	sbr.rel @p0 .LBB2_2-.Ltmp0, $4  }
0x1b: {  	s13 =	sshra.s32 s13, $0x2;
	[sflag:s7] =	ssyncadd.s32 $0xFFFFC000  }
0x1c: {  	[hbm4b:s3+s9] =	stream.indirect.scatter [tilespmem:s8], [sflag:$0x1], $0x80, s13, s9, $0xb8;
	[tilespmem:$0x4800] =	vst v63  }
0x1d: {  	_ =	swait.ge [sflag:s7], $0x4000  }
0x1e: {  	[sflag:s7] =	ssyncset.done $0x0  }
0x1f: {  	s10 =	sadd.s32 $0x1, s10  }
0x20: {  	p0 =	sne.s32 s10, s5  }
.Ltmp1:
0x21: {  	_ = 	snop;
	(pc) =	sbr.rel @p0 .LBB2_1-.Ltmp1, $2  }
0x22: {  	_ =	sdelay $0x2  }
0x23: {  	[sflag:s7] =	ssyncadd.s32 $0xFFFFC000  }
0x24: {  	_ =	sfence.sel $0x180000  }
0x25: {  	[bflag:$0x0] =	sbarrier.arrive $0xFFFF  }
0x26: {  	p0 =	sne.s32 s1, $0x0;
	_ =	strace $0x9000004A  }
0x27: {  	s0 =	sadd.s32 @!p0 $0x100000, s0;
	[bflag:$0x2] =	sbarrier.arrive $0xFFFF  }
0x28: {  	[sflag:s0] =	ssyncadd.tile.s32 @!p0 $0x1;
	_ =	shalt  }
.Lfunc_end2:
_tile_overlayer_lowered:
.L_overlay_start_2:
0x29: {  	(tag) =	ssettag $0x2  }
0x2a: {  	s0 =	rddreg [dreg:$0x0];
	s2 =	stileid.u32  }
0x2b: {  	s1 =	rddreg [dreg:$0x1];
	p0 =	sne.s32 s2, $0x0  }
0x2c: {  	s3 =	rddreg [dreg:$0x2];
	[bflag:$0x3] =	sbarrier.arrive $0xFFFF;
	s2 =	simm.s32 @!p0 $0x1C01  }
0x2d: {  	[timem:s3], [sflag:s2] =	dma.local @!p0 [hbm:s0], s1  }
0x2e: {  	s0 =	simm.s32 @!p0 $0x1  }
0x2f: {  	_ =	swait.ge @!p0 [sflag:s0], s1  }
0x30: {  	s1 =	ssub.s32 @!p0 $0x0, s1;
	[sflag:s0] =	ssyncset.done @!p0 $0x0  }
0x31: {  	[sflag:s0] =	ssyncadd.s32 @!p0 s1  }
0x32: {  	[bflag:$0x3] =	sbarrier.arrive $0xFFFF  }
0x33: {  	_ =	shalt  }

// kernel: kernel.9.cloned.1.call-start
scs
__scs_entry_jumppad:
0x0: {  	(pc) =	sbr.rel $0x88, $3  }
0x1: {  	(tag) =	ssettag $0x0;
	lr =	simm.s32 $0x1  }
0x2: {  	[smem:$0x3F93] =	sst lr;
	_ =	strace $0xD0000000  }
0x3: {  	_ = 	snop  }
0x4: {  	_ = 	snop  }
0x5: {  	_ = 	snop  }
0x6: {  	_ = 	snop  }
0x7: {  	_ = 	snop  }
__scs_overlays_trampoline_lowered:
0x8: {  	[smem:$0x3FA2] =	sst s0  }
0x9: {  	[smem:$0x3FA3] =	sst s1  }
0xa: {  	[smem:$0x3FA4] =	sst s2  }
0xb: {  	[smem:$0x3FA5] =	sst s3  }
0xc: {  	[smem:$0x3FA6] =	sst s4  }
0xd: {  	[smem:$0x3FA7] =	sst s5  }
0xe: {  	[smem:$0x3FA8] =	sst s6  }
0xf: {  	[smem:$0x3FA9] =	sst s7  }
0x10: {  	[smem:$0x3FAA] =	sst s8  }
0x11: {  	[smem:$0x3FAB] =	sst s9;
	s0 =	simm.s32 @!p0 $0x0  }
0x12: {  	s1 =	sld [smem:$0x3F91];
	s0 =	simm.s32 @p0 $0x1  }
0x13: {  	[smem:$0x3FAC] =	sst s0;
	s0 =	simm.s32 @!p1 $0x0  }
0x14: {  	s2 =	sld [smem:$0x3F90];
	s0 =	simm.s32 @p1 $0x1  }
0x15: {  	[smem:$0x3FAD] =	sst s0;
	s0 =	simm.s32 @!p2 $0x0  }
0x16: {  	s3 =	sld [smem:$0x3FDB];
	s0 =	simm.s32 @p2 $0x1  }
0x17: {  	s4 =	simm.s32 $0x1BF5;
	[smem:$0x3FAF] =	sst s0  }
0x18: {  	s0 =	sld [smem:$0x3F92];
	_ =	swait.ge [sflag:s4], $0x0  }
0x19: {  	s7 =	sld [smem:$0x3F93]  }
0x1a: {  	s8 =	sadd.s32 $0xFFFFE003, lr  }
0x1b: {  	s9 =	sadd.s32 $0xFFFFFEF7, lr;
	s5 =	simm.s32 $0xFFFFFFFF;
	p2 =	slt.u32 s8, $0xFFFFF086  }
0x1c: {  	p1 =	slt.u32 s9, $0xF7A;
	s5 =	simm.s32 @!p2 $0x0  }
0x1d: {  	s5 =	simm.s32 @p1 $0x1;
	p0 =	seq.s32 s7, s2  }
0x1e: {  	s7 =	smul.u32 @!p0 $0xF7A, s2;
	p2 =	seq.s32 @!p0 s5, $0x0  }
0x1f: {  	s9 =	smul.u32 $0xF7A, s1;
	s8 =	simm.s32 @!p0 $0x1BF5;
	p2 =	por !p2, p0  }
0x20: {  	[sflag:s8] =	ssyncset.s32 @!p0 $0xFFFFF086;
	s6 =	sadd.s32 @!p0 s3, s7;
	s7 =	simm.s32 @!p0 $0x108  }
0x21: {  	s3 =	sadd.s32 s3, s9;
	s6 =	sadd.s32 @!p0 $0x88, s6;
	s7 =	simm.s32 @p2 $0x1082  }
0x22: {  	[simem:s7], [sflag:s8] =	dma.local @!p0 [hbm:s6], $0xF7A  }
0x23: {  	s9 =	sor.u32 $0xD0000000, s2;
	s6 =	simm.s32 $0x108;
	_ =	swait.ge @!p0 [sflag:s8], $0x0  }
0x24: {  	s3 =	sadd.s32 $0x88, s3;
	s6 =	simm.s32 @!p1 $0x1082;
	[sflag:s4] =	ssyncset.s32 $0xFFFFF086  }
0x25: {  	[simem:s6], [sflag:s4] =	dma.local [hbm:s3], $0xF7A  }
0x26: {  	[smem:$0x3F93] =	sst s1;
	(tag) =	ssettag s2;
	_ =	strace s9  }
0x27: {  	s1 =	sld [smem:$0x3FA3]  }
0x28: {  	s2 =	sld [smem:$0x3FA4]  }
0x29: {  	s4 =	sld [smem:$0x3FA6]  }
0x2a: {  	p0 =	seq.s32 s5, $0x0;
	s5 =	sld [smem:$0x3FA7]  }
0x2b: {  	s6 =	sld [smem:$0x3FA8]  }
0x2c: {  	s7 =	sld [smem:$0x3FA9]  }
0x2d: {  	s3 =	simm.s32 $0x108;
	s8 =	sld [smem:$0x3FAA]  }
0x2e: {  	s3 =	simm.s32 @!p0 $0x1082;
	s9 =	sld [smem:$0x3FAB]  }
0x2f: {  	lr =	sadd.s32 s0, s3;
	s0 =	sld [smem:$0x3FA2]  }
0x30: {  	s3 =	sld [smem:$0x3FA5]  }
0x31: {  	[smem:$0x3FAE] =	sst s10  }
0x32: {  	s10 =	sld [smem:$0x3FAC];
	_ =	sdelay $0x3  }
0x33: {  	p0 =	seq.s32 s10, $0x1;
	s10 =	sld [smem:$0x3FAE];
	_ =	sdelay $0x3  }
0x34: {  	[smem:$0x3FAE] =	sst s10  }
0x35: {  	s10 =	sld [smem:$0x3FAD];
	_ =	sdelay $0x3  }
0x36: {  	p1 =	seq.s32 s10, $0x1;
	s10 =	sld [smem:$0x3FAE];
	_ =	sdelay $0x3  }
0x37: {  	[smem:$0x3FAE] =	sst s10  }
0x38: {  	s10 =	sld [smem:$0x3FAF]  }
0x39: {  	_ = 	snop;
	(pc) =	sbr.ind lr, $3  }
0x3a: {  	_ = 	snop  }
0x3b: {  	_ = 	snop  }
0x3c: {  	p2 =	seq.s32 s10, $0x1;
	s10 =	sld [smem:$0x3FAE]  }
0x3d: {  	_ =	shalt  }
0x3e: {  	_ =	shalt  }
0x3f: {  	_ =	shalt  }
0x40: {  	_ =	shalt  }
0x41: {  	_ =	shalt  }
0x42: {  	_ =	shalt  }
0x43: {  	_ =	shalt  }
0x44: {  	_ =	shalt  }
0x45: {  	_ =	shalt  }
0x46: {  	_ =	shalt  }
0x47: {  	_ =	shalt  }
0x48: {  	_ =	shalt  }
0x49: {  	_ =	shalt  }
0x4a: {  	_ =	shalt  }
0x4b: {  	_ =	shalt  }
0x4c: {  	_ =	shalt  }
0x4d: {  	_ =	shalt  }
0x4e: {  	_ =	shalt  }
0x4f: {  	_ =	shalt  }
0x50: {  	_ =	shalt  }
0x51: {  	_ =	shalt  }
0x52: {  	_ =	shalt  }
0x53: {  	_ =	shalt  }
0x54: {  	_ =	shalt  }
0x55: {  	_ =	shalt  }
0x56: {  	_ =	shalt  }
0x57: {  	_ =	shalt  }
0x58: {  	_ =	shalt  }
0x59: {  	_ =	shalt  }
0x5a: {  	_ =	shalt  }
0x5b: {  	_ =	shalt  }
0x5c: {  	_ =	shalt  }
0x5d: {  	_ =	shalt  }
0x5e: {  	_ =	shalt  }
0x5f: {  	_ =	shalt  }
0x60: {  	_ =	shalt  }
0x61: {  	_ =	shalt  }
0x62: {  	_ =	shalt  }
0x63: {  	_ =	shalt  }
0x64: {  	_ =	shalt  }
0x65: {  	_ =	shalt  }
0x66: {  	_ =	shalt  }
0x67: {  	_ =	shalt  }
0x68: {  	_ =	shalt  }
0x69: {  	_ =	shalt  }
0x6a: {  	_ =	shalt  }
0x6b: {  	_ =	shalt  }
0x6c: {  	_ =	shalt  }
0x6d: {  	_ =	shalt  }
0x6e: {  	_ =	shalt  }
0x6f: {  	_ =	shalt  }
0x70: {  	_ =	shalt  }
0x71: {  	_ =	shalt  }
0x72: {  	_ =	shalt  }
0x73: {  	_ =	shalt  }
0x74: {  	_ =	shalt  }
0x75: {  	_ =	shalt  }
0x76: {  	_ =	shalt  }
0x77: {  	_ =	shalt  }
0x78: {  	_ =	shalt  }
0x79: {  	_ =	shalt  }
0x7a: {  	_ =	shalt  }
0x7b: {  	_ =	shalt  }
0x7c: {  	_ =	shalt  }
0x7d: {  	_ =	shalt  }
0x7e: {  	_ =	shalt  }
0x7f: {  	_ =	shalt  }
0x80: {  	_ =	shalt  }
0x81: {  	_ =	shalt  }
0x82: {  	_ =	shalt  }
0x83: {  	_ =	shalt  }
0x84: {  	_ =	shalt  }
0x85: {  	_ =	shalt  }
0x86: {  	_ =	shalt  }
0x87: {  	_ =	shalt  }
.Lfunc_end0:
.L_simem_size_0:
called_computation.1_lowered:
.L_overlay_start_0:
0x88: {  	s2 =	sld [smem:$0x3FD9]  }
0x89: {  	s3 =	sld [smem:$0x3FFE];
	_ =	sdelay $0x1  }
0x8a: {  	s1 =	srdreg.scid  }
0x8b: {  	s0 =	sand.u32 $0x1, s1  }
0x8c: {  	s16 =	sshll.u32 s0, $0xA;
	s2 =	sadd.s32 s3, s2  }
0x8d: {  	s2 =	sadd.s32 s2, s16  }
0x8e: {  	[smem:$0x3FBA] =	sst s2  }
0x8f: {  	_ = 	snop  }
0x90: {  	(tm) =	ssettm $0x1  }
0x91: {  	s17 =	sld [smem:$0x3FFB];
	_ =	sdelay $0x3  }
0x92: {  	_ =	strace s17  }
0x93: {  	s2 =	sld [smem:$0x3FFC];
	_ =	sdelay $0x3  }
0x94: {  	_ =	strace s2  }
0x95: {  	s2 =	sld [smem:$0x3FFD];
	_ =	sdelay $0x3  }
0x96: {  	_ =	strace s2  }
0x97: {  	_ =	strace $0x8FFFFFFF  }
0x98: {  	s18 =	sld [smem:$0x3FDB];
	_ =	sdelay $0x1  }
0x99: {  	s19 =	simm.s32 $_scs_section_size  }
0x9a: {  	s4 =	simm.s32 $_size__tile_overlayer_lowered;
	s5 =	simm.s32 $_tile_overlayer_lowered  }
0x9b: {  	s22 =	simm.s32 $0x1BFF;
	s21 =	sshll.u32 s5, $0x1;
	s2 =	sadd.s32 s19, s18  }
0x9c: {  	s6 =	simm.s32 $0x0;
	s20 =	sshll.u32 s4, $0x1;
	s4 =	sadd.s32 s21, s2  }
0x9d: {  	[timem:s6], [sflag:s22] =	dma.local [hbm:s4], s20  }
0x9e: {  	_ =	swait.ge [sflag:s22], s20  }
0x9f: {  	s3 =	ssub.s32 $0x0, s20;
	[sflag:s22] =	ssyncset.done $0x0  }
0xa0: {  	[sflag:s22] =	ssyncadd.s32 s3;
	_ =	sdelay $0x1  }
0xa1: {  	s23 =	simm.s32 $0x1B8B  }
0xa2: {  	_ =	swait.ge [sflag:s23], $0x1  }
0xa3: {  	[sflag:s23] =	ssyncset.done $0x0  }
0xa4: {  	s25 =	simm.s32 $0x1B8E;
	s24 =	sld [smem:$0x3FFE];
	[sflag:s23] =	ssyncadd.s32 $0xFFFFFFFF  }
0xa5: {  	s26 =	simm.s32 $execute0_lowered;
	[smem:$0x3FD2] =	sst s25  }
0xa6: {  	s4 =	sshll.u32 s26, $0x1;
	_ =	strace $0x80000046;
	[dreg:$0x1] =	wrdreg $0xFFFFFFFF  }
0xa7: {  	s28 =	simm.s32 $_size_execute0_lowered;
	s2 =	sadd.s32 s2, s4;
	[dreg:$0x0] =	wrdreg $0x0  }
0xa8: {  	s4 =	sshll.u32 s28, $0x1;
	[dreg:$0x2] =	wrdreg s2  }
0xa9: {  	[dreg:$0x3] =	wrdreg s4  }
0xaa: {  	[dreg:$0x4] =	wrdreg $0xC0  }
0xab: {  	_ =	task [dreg:s6], $0x5FFFF  }
0xac: {  	[dreg:$0x1] =	wrdreg $0xFFFFFFFF  }
0xad: {  	[dreg:$0x0] =	wrdreg $0x60  }
0xae: {  	[dreg:$0x2] =	wrdreg s24  }
0xaf: {  	[dreg:$0x3] =	wrdreg $0xA  }
0xb0: {  	_ =	task.clear_ibuf [dreg:s6], $0x4FFFF;
	_ =	strace $0x90000046  }
0xb1: {  	s29 =	simm.s32 $0xA;
	_ =	strace $0x80000048  }
0xb2: {  	_ =	swait.ge [sflag:s29], $0x1  }
0xb3: {  	[sflag:s29] =	ssyncadd.s32 $0xFFFFFFFF  }
0xb4: {  	_ =	strace $0x90000048  }
0xb5: {  	_ =	sfence  }
0xb6: {  	s30 =	sld [smem:$0x0];
	_ =	sdelay $0x2  }
0xb7: {  	s31 =	sshll.u32 s1, $0xD;
	s1 =	sshrl.u32 s1, $0x2  }
0xb8: {  	s3 =	sand.u32 $0x4000, s31;
	s1 =	sadd.s32 s1, s30  }
0xb9: {  	s0 =	sor.u32 s3, s0;
	s1 =	sshll.u32 s1, $0x11  }
0xba: {  	s0 =	sor.u32 s1, s0  }
0xbb: {  	s0 =	sadd.s32 $0x8F2B, s0  }
0xbc: {  	[sflag:s0] =	ssyncadd.remote.s32 $0x1  }
0xbd: {  	_ =	sfence.sel $0xFFFF  }
0xbe: {  	[dreg:$0x0] =	wrdreg $0xFFFFFFFF;
	(pc) =	sbr.abs _section_cstart, $3  }
0xbf: {  	[dreg:$0x1] =	wrdreg $0xFFFFFFFF  }
0xc0: {  	_ =	task.clear_ibuf [dreg:s6], $0x2FFFF;
	_ =	strace $0x9FFFFFFF  }
0xc1: {  	(tm) =	ssettm $0x7FFFFFFF  }
tec
execute0_lowered:
.L_overlay_start_1:
0x0: {  	(tag) =	ssettag $0x1  }
0x1: {  	s4 =	rddreg [dreg:$0x0];
	s1 =	srdreg.scid  }
0x2: {  	s0 =	rddreg [dreg:$0x1];
	s3 =	sand.u32 $0x1, s1  }
0x3: {  	s2 =	simm.s32 $0x0;
	s1 =	stileid.u32;
	s5 =	smul.u32 $0x6C800, s3  }
0x4: {  	s11 =	simm.s32 $0x0;
	[smem:$0x7FF] =	sst s2;
	s6 =	smul.u32 $0x6C80, s1  }
0x5: {  	_ =	strace $0x80000047;
	s7 =	sshll.u32 s3, $0x4;
	s29 =	ssub.s32 $0x2, s3  }
0x6: {  	s3 =	sadd.s32 $0x2C00, s4;
	s8 =	sshrl.u32 s29, $0x1;
	s9 =	sadd.s32 s6, s5  }
0x7: {  	s30 =	sadd.s32 s7, s4;
	s8 =	ssub.s32 s29, s8;
	s31 =	sshrl.u32 s9, $0x3  }
0x8: {  	s10 =	sadd.s32 $0x6C80, s9;
	s6 =	smax.u32 s8, $0x1;
	s8 =	simm.s32 $0x1  }
0x9: {  	v0 =	vmov s9;
	s9 =	simm.s32 $0x80;
	s7 =	sadd.s32 s31, s4;
	s4 =	sadd.s32 $0x1400, s30  }
0xa: {  	v2 =	vimm.s32 $0x1;
	v1 =	vmov s10;
	s10 =	simm.s32 $0x100;
	s5 =	sadd.s32 $0x3A00, s7;
	s7 =	simm.s32 $0x6000  }
.LBB2_1:
0xb: {  	[tilespmem:s7], [sflag:$0x1] =	stream.linear.gather [hbm4b:s3+s2], $0x6C80, $0x38;
	[tilespmem:$0xCC80] =	vst v63  }
0xc: {  	_ =	swait.ge [sflag:s8], $0x6C80  }
0xd: {  	[sflag:s8] =	ssyncset.done $0x0  }
0xe: {  	[sflag:s8] =	ssyncadd.s32 $0xFFFF9380  }
0xf: {  	[tilespmem:s2], [sflag:$0x1] =	stream.strided.gather [hbm4b:s4+s9], $0x6000, s10, s9, $0x38;
	[tilespmem:$0xCC80] =	vst v63  }
0x10: {  	_ =	swait.ge [sflag:s8], $0x6000  }
0x11: {  	[sflag:s8] =	ssyncset.done $0x0  }
0x12: {  	s13 =	simm.s32 $0x0;
	s12 =	simm.s32 $0x40;
	[sflag:s8] =	ssyncadd.s32 $0xFFFFA000  }
.LBB2_2:
0x13: {  	p0 =	sne.s32 s12, $0x17FC0;
	v3 =	vld [tilespmem:s13+$0x0];
	_ =	sdelay $0x4  }
0x14: {  	v4 =	vsub.s32 v3, v0  }
0x15: {  	vm0 =	vge.s32 v3, v0;
	vm1 =	vlt.s32 v3, v1;
	vm2 =	vgt.s32 v4, $0x0  }
0x16: {  	vm0 =	vmand vm0, vm1;
	v3 =	vnsel vm2, $0x0, v4  }
0x17: {  	v3 =	vmin.u32 v3, $0x6C7F  }
.Ltmp0:
0x18: {  	(pc) =	sbr.rel @p0 .LBB2_2-.Ltmp0, $2  }
0x19: {  	_ =	sdelay $0x2  }
0x1a: {  	s13 =	sshra.s32 s12, $0x2;
	s12 =	sadd.s32 $0x40, s12;
	[tilespmem:v3+s7+$0x0] =	vst.idx.msk vm0, v2  }
0x1b: {  	v3 =	vld [tilespmem:s13+$0x0];
	_ =	sdelay $0x4  }
0x1c: {  	v4 =	vsub.s32 v3, v0  }
0x1d: {  	vm0 =	vge.s32 v3, v0;
	vm1 =	vlt.s32 v3, v1;
	vm2 =	vgt.s32 v4, $0x0  }
0x1e: {  	vm0 =	vmand vm0, vm1;
	v3 =	vnsel vm2, $0x0, v4  }
0x1f: {  	v3 =	vmin.u32 v3, $0x6C7F;
	_ =	sdelay $0x2  }
0x20: {  	s11 =	sadd.s32 $0x1, s11  }
0x21: {  	p0 =	sne.s32 s11, s6  }
.Ltmp1:
0x22: {  	[tilespmem:v3+s7+$0x0] =	vst.idx.msk vm0, v2;
	(pc) =	sbr.rel @p0 .LBB2_1-.Ltmp1, $4  }
0x23: {  	[hbm4b:s5+s2] =	stream.linear.scatter [tilespmem:s7], [sflag:$0x1], $0x6C80, $0x38;
	[tilespmem:$0xCC80] =	vst v63  }
0x24: {  	_ =	swait.ge [sflag:s8], $0x6C80  }
0x25: {  	[sflag:s8] =	ssyncset.done $0x0  }
0x26: {  	[sflag:s8] =	ssyncadd.s32 $0xFFFF9380  }
0x27: {  	_ =	sfence.sel $0x180000  }
0x28: {  	[bflag:$0x0] =	sbarrier.arrive $0xFFFF  }
0x29: {  	p0 =	sne.s32 s1, $0x0;
	_ =	strace $0x90000047  }
0x2a: {  	s0 =	sadd.s32 @!p0 $0x100000, s0;
	[bflag:$0x2] =	sbarrier.arrive $0xFFFF  }
0x2b: {  	[sflag:s0] =	ssyncadd.tile.s32 @!p0 $0x1;
	_ =	shalt  }
.Lfunc_end2:
_tile_overlayer_lowered:
.L_overlay_start_2:
0x2c: {  	(tag) =	ssettag $0x2  }
0x2d: {  	s0 =	rddreg [dreg:$0x0];
	s2 =	stileid.u32  }
0x2e: {  	s1 =	rddreg [dreg:$0x1];
	p0 =	sne.s32 s2, $0x0  }
0x2f: {  	s3 =	rddreg [dreg:$0x2];
	[bflag:$0x3] =	sbarrier.arrive $0xFFFF;
	s2 =	simm.s32 @!p0 $0x1C01  }
0x30: {  	[timem:s3], [sflag:s2] =	dma.local @!p0 [hbm:s0], s1  }
0x31: {  	s0 =	simm.s32 @!p0 $0x1  }
0x32: {  	_ =	swait.ge @!p0 [sflag:s0], s1  }
0x33: {  	s1 =	ssub.s32 @!p0 $0x0, s1;
	[sflag:s0] =	ssyncset.done @!p0 $0x0  }
0x34: {  	[sflag:s0] =	ssyncadd.s32 @!p0 s1  }
0x35: {  	[bflag:$0x3] =	sbarrier.arrive $0xFFFF  }
0x36: {  	_ =	shalt  }

</sc_bundles>
